<compile_context>
chip_gen: v7x
topology: tpu7x:2x2x1
jax: 0.10.2.dev20260603
libtpu: 0.0.44.dev20260713+nightly
codegen_flags: <defaults>
</compile_context>

<pallas_src>
import functools

import jax
import jax.numpy as jnp
from jax import lax
from jax.experimental import pallas as pl
from jax.experimental.pallas import tpu as pltpu

_C = 256
_R = 128
_IOU_THRESH = 0.5


def _iou_tile(rx1, ry1, rx2, ry2, ra, cx1, cy1, cx2, cy2, ca):
    ix1 = jnp.maximum(rx1, cx1)
    iy1 = jnp.maximum(ry1, cy1)
    ix2 = jnp.minimum(rx2, cx2)
    iy2 = jnp.minimum(ry2, cy2)
    inter = jnp.clip(ix2 - ix1, 0.0) * jnp.clip(iy2 - iy1, 0.0)
    return inter / (ra + ca - inter + 1e-9)


def _nms_body(nc, x1_ref, y1_ref, x2_ref, y2_ref, keep_ref, area_ref):
    C = _C
    R = _R
    keep_ref[...] = jnp.ones((nc, C), jnp.float32)
    area_ref[...] = (x2_ref[...] - x1_ref[...]) * (y2_ref[...] - y1_ref[...])

    ii = lax.broadcasted_iota(jnp.int32, (C, C), 0)
    jj = lax.broadcasted_iota(jnp.int32, (C, C), 1)
    upper = ii < jj

    def chunk_step(c, _):
        rx1r = x1_ref[pl.ds(c, 1), :]
        ry1r = y1_ref[pl.ds(c, 1), :]
        rx2r = x2_ref[pl.ds(c, 1), :]
        ry2r = y2_ref[pl.ds(c, 1), :]
        rar = area_ref[pl.ds(c, 1), :]
        rx1 = rx1r.reshape(C, 1)
        ry1 = ry1r.reshape(C, 1)
        rx2 = rx2r.reshape(C, 1)
        ry2 = ry2r.reshape(C, 1)
        ra = rar.reshape(C, 1)

        iou_d = _iou_tile(rx1, ry1, rx2, ry2, ra, rx1r, ry1r, rx2r, ry2r, rar)
        mf = jnp.where((iou_d >= _IOU_THRESH) & upper, 1.0, 0.0)
        k0 = keep_ref[pl.ds(c, 1), :]

        def fix_cond(carry):
            return carry[1]

        def fix_body(carry):
            k, _ = carry
            s = jnp.max(mf * k.reshape(C, 1), axis=0, keepdims=True)
            kn = k0 * (1.0 - s)
            return kn, jnp.any(kn != k)

        kf, _ = lax.while_loop(fix_cond, fix_body, (k0, True))
        keep_ref[pl.ds(c, 1), :] = kf

        kcol = kf.reshape(C, 1)
        mx1 = rx1 * kcol
        my1 = ry1 * kcol
        mx2 = rx2 * kcol
        my2 = ry2 * kcol

        def jstep(j, _):
            cx1 = x1_ref[pl.ds(j, 1), :]
            cy1 = y1_ref[pl.ds(j, 1), :]
            cx2 = x2_ref[pl.ds(j, 1), :]
            cy2 = y2_ref[pl.ds(j, 1), :]
            ca = area_ref[pl.ds(j, 1), :]
            smax = jnp.zeros((1, C), jnp.float32)
            for r in range(0, C, R):
                iou = _iou_tile(mx1[r:r + R], my1[r:r + R],
                                mx2[r:r + R], my2[r:r + R], ra[r:r + R],
                                cx1, cy1, cx2, cy2, ca)
                smax = jnp.maximum(smax, jnp.max(iou, axis=0, keepdims=True))
            supp = jnp.where(smax >= _IOU_THRESH, 1.0, 0.0)
            keep_ref[pl.ds(j, 1), :] = keep_ref[pl.ds(j, 1), :] * (1.0 - supp)
            return 0

        lax.fori_loop(c + 1, nc, jstep, 0)
        return 0

    lax.fori_loop(0, nc, chunk_step, 0)


@jax.jit
def kernel(boxes, scores):
    n = boxes.shape[0]
    nc = (n + _C - 1) // _C
    npad = nc * _C

    order = jnp.argsort(-scores)
    b = jnp.take(boxes, order, axis=0)
    s = jnp.take(scores, order, axis=0)

    bp = jnp.pad(b, ((0, npad - n), (0, 0)))
    x1 = bp[:, 0].reshape(nc, _C)
    y1 = bp[:, 1].reshape(nc, _C)
    x2 = bp[:, 2].reshape(nc, _C)
    y2 = bp[:, 3].reshape(nc, _C)

    keep = pl.pallas_call(
        functools.partial(_nms_body, nc),
        out_shape=jax.ShapeDtypeStruct((nc, _C), jnp.float32),
        scratch_shapes=[pltpu.VMEM((nc, _C), jnp.float32)],
    )(x1, y1, x2, y2)

    keepf = keep.reshape(npad)[:n]
    return jnp.concatenate([b * keepf[:, None], (s * keepf)[:, None]], axis=1)

# --- scband reference (transcript-rebuilt; emitter-appended) ---
"""Pipeline reference for scband-deployable-network-71992241815954 (READ-ONLY COPY).

The authoritative reference and input builder live on the scoring server;
editing this copy changes nothing except your own understanding.
"""

import jax, jax.numpy as jnp
import numpy as np

N = 20000
IOU_THRESH = 0.5


def _iou_one_many(box, boxes):
    x1 = jnp.maximum(box[0], boxes[:, 0])
    y1 = jnp.maximum(box[1], boxes[:, 1])
    x2 = jnp.minimum(box[2], boxes[:, 2])
    y2 = jnp.minimum(box[3], boxes[:, 3])
    inter = jnp.clip(x2 - x1, 0.0) * jnp.clip(y2 - y1, 0.0)
    area_a = (box[2] - box[0]) * (box[3] - box[1])
    areas = (boxes[:, 2] - boxes[:, 0]) * (boxes[:, 3] - boxes[:, 1])
    return inter / (area_a + areas - inter + 1e-9)


def _nms(boxes, scores):
    # sort by descending score (mirrors ordered NMS in the torch module)
    order = jnp.argsort(-scores)
    b = jnp.take(boxes, order, axis=0)
    s = jnp.take(scores, order, axis=0)
    n = b.shape[0]
    idx = jnp.arange(n)

    def body(i, keep):
        iou = _iou_one_many(b[i], b)
        suppress = (iou >= IOU_THRESH) & (idx > i)
        return jnp.where(keep[i], keep & (~suppress), keep)

    keep = jax.lax.fori_loop(0, n, body, jnp.ones((n,), dtype=bool))
    keep = jax.lax.stop_gradient(keep)
    keepf = keep.astype(b.dtype)
    # kept boxes and scores, zeroed where suppressed: [N, 5]
    return jnp.concatenate([b * keepf[:, None], (s * keepf)[:, None]], axis=1)


def setup_inputs(seed: int = 0) -> dict:
    key = jax.random.key(seed)
    k1, k2, k3 = jax.random.split(key, 3)
    xy = jax.random.uniform(k1, (N, 2), dtype=jnp.float32) * 1024.0
    wh = jax.random.uniform(k2, (N, 2), dtype=jnp.float32) * 100.0 + 1.0
    boxes = jnp.concatenate([xy, xy + wh], axis=1)
    scores = jax.random.uniform(k3, (N,), dtype=jnp.float32)
    return {"boxes": boxes, "scores": scores}


def reference(boxes, scores):
    return _nms(boxes, scores)

if __name__ == "__main__":
    import jax
    _d = setup_inputs()
    print(jax.jit(kernel)(*tuple(_d.values())))

</pallas_src>

<mosaic_0001>
module attributes {stable_mosaic.version = 14 : i64} {
  func.func @_nms_body(%arg0: memref<79x256xf32, #tpu.memory_space<vmem>>, %arg1: memref<79x256xf32, #tpu.memory_space<vmem>>, %arg2: memref<79x256xf32, #tpu.memory_space<vmem>>, %arg3: memref<79x256xf32, #tpu.memory_space<vmem>>, %arg4: memref<79x256xf32, #tpu.memory_space<vmem>>, %arg5: memref<79x256xf32, #tpu.memory_space<vmem>>) attributes {dimension_semantics = [], scalar_prefetch = 0 : i64, scratch_operands = 1 : i64, tpu.core_type = #tpu.core_type<tc>} {
    %broadcast_in_dim3A = arith.constant 1.000000e+00 : f32
    %broadcast_in_dim3A_0 = vector.broadcast %broadcast_in_dim3A : f32 to vector<79x256xf32>
    %swap3A = arith.constant 0 : index
    %swap3A_1 = arith.constant 0 : index
    %swap3A_2 = vector.load %arg4[%swap3A, %swap3A_1] : memref<79x256xf32, #tpu.memory_space<vmem>>, vector<79x256xf32>
    tpu.vector_store %arg4[%swap3A, %swap3A_1], %broadcast_in_dim3A_0 {strides = array<i32>} : memref<79x256xf32, #tpu.memory_space<vmem>>, vector<79x256xf32>,
    %get3A = arith.constant 0 : index
    %get3A_3 = arith.constant 0 : index
    %get3A_4 = vector.load %arg2[%get3A, %get3A_3] : memref<79x256xf32, #tpu.memory_space<vmem>>, vector<79x256xf32>
    %get3A_5 = arith.constant 0 : index
    %get3A_6 = arith.constant 0 : index
    %get3A_7 = vector.load %arg0[%get3A_5, %get3A_6] : memref<79x256xf32, #tpu.memory_space<vmem>>, vector<79x256xf32>
    %sub3A = arith.subf %get3A_4, %get3A_7 : vector<79x256xf32>
    %get3A_8 = arith.constant 0 : index
    %get3A_9 = arith.constant 0 : index
    %get3A_10 = vector.load %arg3[%get3A_8, %get3A_9] : memref<79x256xf32, #tpu.memory_space<vmem>>, vector<79x256xf32>
    %get3A_11 = arith.constant 0 : index
    %get3A_12 = arith.constant 0 : index
    %get3A_13 = vector.load %arg1[%get3A_11, %get3A_12] : memref<79x256xf32, #tpu.memory_space<vmem>>, vector<79x256xf32>
    %sub3A_14 = arith.subf %get3A_10, %get3A_13 : vector<79x256xf32>
    %mul3A = arith.mulf %sub3A, %sub3A_14 : vector<79x256xf32>
    %swap3A_15 = arith.constant 0 : index
    %swap3A_16 = arith.constant 0 : index
    %swap3A_17 = vector.load %arg5[%swap3A_15, %swap3A_16] : memref<79x256xf32, #tpu.memory_space<vmem>>, vector<79x256xf32>
    tpu.vector_store %arg5[%swap3A_15, %swap3A_16], %mul3A {strides = array<i32>} : memref<79x256xf32, #tpu.memory_space<vmem>>, vector<79x256xf32>,
    %iota3A = tpu.iota {dimensions = array<i32: 0>} : vector<256x256xi32>
    %iota3A_18 = tpu.iota {dimensions = array<i32: 1>} : vector<256x256xi32>
    %lt3A = arith.cmpi slt, %iota3A, %iota3A_18 : vector<256x256xi32>
    %scan3A = arith.constant 0 : i32
    %scan3A_19 = arith.constant 79 : i32
    %scan3A_20 = arith.addi %scan3A, %scan3A_19 : i32
    %scan3A_21 = arith.constant 1 : i32
    scf.for %scan3A_23 = %scan3A to %scan3A_20 step %scan3A_21  : i32 {
      %get3A_24 = arith.index_cast %scan3A_23 : i32 to index
      %get3A_25 = arith.constant 0 : index
      %get3A_26 = vector.load %arg0[%get3A_24, %get3A_25] : memref<79x256xf32, #tpu.memory_space<vmem>>, vector<1x256xf32>
      %get3A_27 = arith.index_cast %scan3A_23 : i32 to index
      %get3A_28 = arith.constant 0 : index
      %get3A_29 = vector.load %arg1[%get3A_27, %get3A_28] : memref<79x256xf32, #tpu.memory_space<vmem>>, vector<1x256xf32>
      %get3A_30 = arith.index_cast %scan3A_23 : i32 to index
      %get3A_31 = arith.constant 0 : index
      %get3A_32 = vector.load %arg2[%get3A_30, %get3A_31] : memref<79x256xf32, #tpu.memory_space<vmem>>, vector<1x256xf32>
      %get3A_33 = arith.index_cast %scan3A_23 : i32 to index
      %get3A_34 = arith.constant 0 : index
      %get3A_35 = vector.load %arg3[%get3A_33, %get3A_34] : memref<79x256xf32, #tpu.memory_space<vmem>>, vector<1x256xf32>
      %get3A_36 = arith.index_cast %scan3A_23 : i32 to index
      %get3A_37 = arith.constant 0 : index
      %get3A_38 = vector.load %arg5[%get3A_36, %get3A_37] : memref<79x256xf32, #tpu.memory_space<vmem>>, vector<1x256xf32>
      %reshape3A = vector.shape_cast %get3A_26 : vector<1x256xf32> to vector<256x1xf32>
      %reshape3A_39 = vector.shape_cast %get3A_29 : vector<1x256xf32> to vector<256x1xf32>
      %reshape3A_40 = vector.shape_cast %get3A_32 : vector<1x256xf32> to vector<256x1xf32>
      %reshape3A_41 = vector.shape_cast %get3A_35 : vector<1x256xf32> to vector<256x1xf32>
      %reshape3A_42 = vector.shape_cast %get3A_38 : vector<1x256xf32> to vector<256x1xf32>
      %max3A = vector.broadcast %reshape3A : vector<256x1xf32> to vector<256x256xf32>
      %max3A_43 = vector.broadcast %get3A_26 : vector<1x256xf32> to vector<256x256xf32>
      %max3A_44 = arith.maximumf %max3A, %max3A_43 : vector<256x256xf32>
      %max3A_45 = vector.broadcast %reshape3A_39 : vector<256x1xf32> to vector<256x256xf32>
      %max3A_46 = vector.broadcast %get3A_29 : vector<1x256xf32> to vector<256x256xf32>
      %max3A_47 = arith.maximumf %max3A_45, %max3A_46 : vector<256x256xf32>
      %min3A = vector.broadcast %reshape3A_40 : vector<256x1xf32> to vector<256x256xf32>
      %min3A_48 = vector.broadcast %get3A_32 : vector<1x256xf32> to vector<256x256xf32>
      %min3A_49 = arith.minimumf %min3A, %min3A_48 : vector<256x256xf32>
      %min3A_50 = vector.broadcast %reshape3A_41 : vector<256x1xf32> to vector<256x256xf32>
      %min3A_51 = vector.broadcast %get3A_35 : vector<1x256xf32> to vector<256x256xf32>
      %min3A_52 = arith.minimumf %min3A_50, %min3A_51 : vector<256x256xf32>
      %sub3A_53 = arith.subf %min3A_49, %max3A_44 : vector<256x256xf32>
      %jit3A = arith.constant 0.000000e+00 : f32
      %max3A_54 = vector.broadcast %jit3A : f32 to vector<256x256xf32>
      %max3A_55 = arith.maximumf %max3A_54, %sub3A_53 : vector<256x256xf32>
      %sub3A_56 = arith.subf %min3A_52, %max3A_47 : vector<256x256xf32>
      %jit3A_57 = arith.constant 0.000000e+00 : f32
      %max3A_58 = vector.broadcast %jit3A_57 : f32 to vector<256x256xf32>
      %max3A_59 = arith.maximumf %max3A_58, %sub3A_56 : vector<256x256xf32>
      %mul3A_60 = arith.mulf %max3A_55, %max3A_59 : vector<256x256xf32>
      %add3A = vector.broadcast %reshape3A_42 : vector<256x1xf32> to vector<256x256xf32>
      %add3A_61 = vector.broadcast %get3A_38 : vector<1x256xf32> to vector<256x256xf32>
      %add3A_62 = arith.addf %add3A, %add3A_61 : vector<256x256xf32>
      %sub3A_63 = arith.subf %add3A_62, %mul3A_60 : vector<256x256xf32>
      %add3A_64 = arith.constant 9.99999971E-10 : f32
      %add3A_65 = vector.broadcast %add3A_64 : f32 to vector<256x256xf32>
      %add3A_66 = arith.addf %sub3A_63, %add3A_65 : vector<256x256xf32>
      %div3A = arith.divf %mul3A_60, %add3A_66 : vector<256x256xf32>
      %ge3A = arith.constant 5.000000e-01 : f32
      %ge3A_67 = vector.broadcast %ge3A : f32 to vector<256x256xf32>
      %ge3A_68 = arith.cmpf oge, %div3A, %ge3A_67 : vector<256x256xf32>
      %and3A = arith.andi %ge3A_68, %lt3A : vector<256x256xi1>
      %jit3A_69 = arith.constant 1.000000e+00 : f32
      %jit3A_70 = arith.constant 0.000000e+00 : f32
      %broadcast_in_dim3A_71 = vector.broadcast %jit3A_69 : f32 to vector<256x256xf32>
      %broadcast_in_dim3A_72 = vector.broadcast %jit3A_70 : f32 to vector<256x256xf32>
      %select_n3A = arith.select %and3A, %broadcast_in_dim3A_71, %broadcast_in_dim3A_72 : vector<256x256xi1>, vector<256x256xf32>
      %get3A_73 = arith.index_cast %scan3A_23 : i32 to index
      %get3A_74 = arith.constant 0 : index
      %get3A_75 = vector.load %arg4[%get3A_73, %get3A_74] : memref<79x256xf32, #tpu.memory_space<vmem>>, vector<1x256xf32>
      %while3A = arith.constant true
      %while3A_76:2 = scf.while (%while3A_99 = %get3A_75, %while3A_100 = %while3A) : (vector<1x256xf32>, i1) -> (vector<1x256xf32>, i1) {
        scf.condition(%while3A_100) %while3A_99, %while3A_100 : vector<1x256xf32>, i1
      } do {
      ^bb0(%while3A_99: vector<1x256xf32>, %while3A_100: i1):
        %reshape3A_101 = vector.shape_cast %while3A_99 : vector<1x256xf32> to vector<256x1xf32>
        %mul3A_102 = vector.broadcast %reshape3A_101 : vector<256x1xf32> to vector<256x256xf32>
        %mul3A_103 = arith.mulf %select_n3A, %mul3A_102 : vector<256x256xf32>
        %reduce_max3A = arith.constant dense<0xFF800000> : vector<256xf32>
        %reduce_max3A_104 = vector.multi_reduction <maximumf>, %mul3A_103, %reduce_max3A [0] : vector<256x256xf32> to vector<256xf32>
        %broadcast_in_dim3A_105 = vector.shape_cast %reduce_max3A_104 : vector<256xf32> to vector<1x256xf32>
        %sub3A_106 = arith.constant 1.000000e+00 : f32
        %sub3A_107 = vector.broadcast %sub3A_106 : f32 to vector<1x256xf32>
        %sub3A_108 = arith.subf %sub3A_107, %broadcast_in_dim3A_105 : vector<1x256xf32>
        %mul3A_109 = arith.mulf %get3A_75, %sub3A_108 : vector<1x256xf32>
        %ne3A = arith.cmpf one, %mul3A_109, %while3A_99 : vector<1x256xf32>
        %reduce_or3A = arith.constant 1.000000e+00 : f32
        %reduce_or3A_110 = arith.constant 0.000000e+00 : f32
        %reduce_or3A_111 = vector.broadcast %reduce_or3A : f32 to vector<1x256xf32>
        %reduce_or3A_112 = vector.broadcast %reduce_or3A_110 : f32 to vector<1x256xf32>
        %reduce_or3A_113 = arith.select %ne3A, %reduce_or3A_111, %reduce_or3A_112 : vector<1x256xi1>, vector<1x256xf32>
        %reduce_or3A_114 = vector.shape_cast %reduce_or3A_113 : vector<1x256xf32> to vector<1x1x256xf32>
        %reduce_or3A_115 = arith.constant dense<0xFF800000> : vector<1xf32>
        %reduce_or3A_116 = vector.multi_reduction <maximumf>, %reduce_or3A_114, %reduce_or3A_115 [1, 2] : vector<1x1x256xf32> to vector<1xf32>
        %reduce_or3A_117 = vector.shape_cast %reduce_or3A_116 : vector<1xf32> to vector<1x1x1xf32>
        %reduce_or3A_118 = vector.extract %reduce_or3A_117[0, 0, 0] : f32 from vector<1x1x1xf32>
        %reduce_or3A_119 = arith.constant 0.000000e+00 : f32
        %reduce_or3A_120 = arith.cmpf ogt, %reduce_or3A_118, %reduce_or3A_119 : f32
        scf.yield %mul3A_109, %reduce_or3A_120 : vector<1x256xf32>, i1
      }
      %swap3A_77 = arith.index_cast %scan3A_23 : i32 to index
      %swap3A_78 = arith.constant 0 : index
      %swap3A_79 = vector.load %arg4[%swap3A_77, %swap3A_78] : memref<79x256xf32, #tpu.memory_space<vmem>>, vector<1x256xf32>
      tpu.vector_store %arg4[%swap3A_77, %swap3A_78], %while3A_76#0 {strides = array<i32>} : memref<79x256xf32, #tpu.memory_space<vmem>>, vector<1x256xf32>,
      %reshape3A_80 = vector.shape_cast %while3A_76#0 : vector<1x256xf32> to vector<256x1xf32>
      %mul3A_81 = arith.mulf %reshape3A, %reshape3A_80 : vector<256x1xf32>
      %mul3A_82 = arith.mulf %reshape3A_39, %reshape3A_80 : vector<256x1xf32>
      %mul3A_83 = arith.mulf %reshape3A_40, %reshape3A_80 : vector<256x1xf32>
      %mul3A_84 = arith.mulf %reshape3A_41, %reshape3A_80 : vector<256x1xf32>
      %add3A_85 = arith.constant 1 : i32
      %add3A_86 = arith.addi %scan3A_23, %add3A_85 : i32
      %while3A_87 = arith.constant 79 : i32
      %while3A_88 = arith.constant 0 : i32
      %while3A_89 = arith.subi %while3A_87, %add3A_86 : i32
      %while3A_90 = arith.addi %add3A_86, %while3A_89 : i32
      %while3A_91 = arith.constant 1 : i32
      %while3A_92 = arith.divsi %while3A_89, %while3A_91 : i32
      %while3A_93 = arith.muli %while3A_92, %while3A_91 : i32
      %while3A_94 = arith.addi %add3A_86, %while3A_93 : i32
      %while3A_95 = arith.constant 1 : i32
      %while3A_96 = scf.for %while3A_99 = %add3A_86 to %while3A_94 step %while3A_95 iter_args(%while3A_100 = %while3A_88) -> (i32)  : i32 {
        %get3A_101 = arith.index_cast %while3A_99 : i32 to index
        %get3A_102 = arith.constant 0 : index
        %get3A_103 = vector.load %arg0[%get3A_101, %get3A_102] : memref<79x256xf32, #tpu.memory_space<vmem>>, vector<1x256xf32>
        %get3A_104 = arith.index_cast %while3A_99 : i32 to index
        %get3A_105 = arith.constant 0 : index
        %get3A_106 = vector.load %arg1[%get3A_104, %get3A_105] : memref<79x256xf32, #tpu.memory_space<vmem>>, vector<1x256xf32>
        %get3A_107 = arith.index_cast %while3A_99 : i32 to index
        %get3A_108 = arith.constant 0 : index
        %get3A_109 = vector.load %arg2[%get3A_107, %get3A_108] : memref<79x256xf32, #tpu.memory_space<vmem>>, vector<1x256xf32>
        %get3A_110 = arith.index_cast %while3A_99 : i32 to index
        %get3A_111 = arith.constant 0 : index
        %get3A_112 = vector.load %arg3[%get3A_110, %get3A_111] : memref<79x256xf32, #tpu.memory_space<vmem>>, vector<1x256xf32>
        %get3A_113 = arith.index_cast %while3A_99 : i32 to index
        %get3A_114 = arith.constant 0 : index
        %get3A_115 = vector.load %arg5[%get3A_113, %get3A_114] : memref<79x256xf32, #tpu.memory_space<vmem>>, vector<1x256xf32>
        %broadcast_in_dim3A_116 = arith.constant 0.000000e+00 : f32
        %broadcast_in_dim3A_117 = vector.broadcast %broadcast_in_dim3A_116 : f32 to vector<1x256xf32>
        %slice3A = vector.extract_strided_slice %mul3A_81 {offsets = [0, 0], sizes = [128, 1], strides = [1, 1]} : vector<256x1xf32> to vector<128x1xf32>
        %slice3A_118 = vector.extract_strided_slice %mul3A_82 {offsets = [0, 0], sizes = [128, 1], strides = [1, 1]} : vector<256x1xf32> to vector<128x1xf32>
        %slice3A_119 = vector.extract_strided_slice %mul3A_83 {offsets = [0, 0], sizes = [128, 1], strides = [1, 1]} : vector<256x1xf32> to vector<128x1xf32>
        %slice3A_120 = vector.extract_strided_slice %mul3A_84 {offsets = [0, 0], sizes = [128, 1], strides = [1, 1]} : vector<256x1xf32> to vector<128x1xf32>
        %slice3A_121 = vector.extract_strided_slice %reshape3A_42 {offsets = [0, 0], sizes = [128, 1], strides = [1, 1]} : vector<256x1xf32> to vector<128x1xf32>
        %max3A_122 = vector.broadcast %slice3A : vector<128x1xf32> to vector<128x256xf32>
        %max3A_123 = vector.broadcast %get3A_103 : vector<1x256xf32> to vector<128x256xf32>
        %max3A_124 = arith.maximumf %max3A_122, %max3A_123 : vector<128x256xf32>
        %max3A_125 = vector.broadcast %slice3A_118 : vector<128x1xf32> to vector<128x256xf32>
        %max3A_126 = vector.broadcast %get3A_106 : vector<1x256xf32> to vector<128x256xf32>
        %max3A_127 = arith.maximumf %max3A_125, %max3A_126 : vector<128x256xf32>
        %min3A_128 = vector.broadcast %slice3A_119 : vector<128x1xf32> to vector<128x256xf32>
        %min3A_129 = vector.broadcast %get3A_109 : vector<1x256xf32> to vector<128x256xf32>
        %min3A_130 = arith.minimumf %min3A_128, %min3A_129 : vector<128x256xf32>
        %min3A_131 = vector.broadcast %slice3A_120 : vector<128x1xf32> to vector<128x256xf32>
        %min3A_132 = vector.broadcast %get3A_112 : vector<1x256xf32> to vector<128x256xf32>
        %min3A_133 = arith.minimumf %min3A_131, %min3A_132 : vector<128x256xf32>
        %sub3A_134 = arith.subf %min3A_130, %max3A_124 : vector<128x256xf32>
        %jit3A_135 = arith.constant 0.000000e+00 : f32
        %max3A_136 = vector.broadcast %jit3A_135 : f32 to vector<128x256xf32>
        %max3A_137 = arith.maximumf %max3A_136, %sub3A_134 : vector<128x256xf32>
        %sub3A_138 = arith.subf %min3A_133, %max3A_127 : vector<128x256xf32>
        %jit3A_139 = arith.constant 0.000000e+00 : f32
        %max3A_140 = vector.broadcast %jit3A_139 : f32 to vector<128x256xf32>
        %max3A_141 = arith.maximumf %max3A_140, %sub3A_138 : vector<128x256xf32>
        %mul3A_142 = arith.mulf %max3A_137, %max3A_141 : vector<128x256xf32>
        %add3A_143 = vector.broadcast %slice3A_121 : vector<128x1xf32> to vector<128x256xf32>
        %add3A_144 = vector.broadcast %get3A_115 : vector<1x256xf32> to vector<128x256xf32>
        %add3A_145 = arith.addf %add3A_143, %add3A_144 : vector<128x256xf32>
        %sub3A_146 = arith.subf %add3A_145, %mul3A_142 : vector<128x256xf32>
        %add3A_147 = arith.constant 9.99999971E-10 : f32
        %add3A_148 = vector.broadcast %add3A_147 : f32 to vector<128x256xf32>
        %add3A_149 = arith.addf %sub3A_146, %add3A_148 : vector<128x256xf32>
        %div3A_150 = arith.divf %mul3A_142, %add3A_149 : vector<128x256xf32>
        %reduce_max3A = arith.constant dense<0xFF800000> : vector<256xf32>
        %reduce_max3A_151 = vector.multi_reduction <maximumf>, %div3A_150, %reduce_max3A [0] : vector<128x256xf32> to vector<256xf32>
        %broadcast_in_dim3A_152 = vector.shape_cast %reduce_max3A_151 : vector<256xf32> to vector<1x256xf32>
        %max3A_153 = arith.maximumf %broadcast_in_dim3A_117, %broadcast_in_dim3A_152 : vector<1x256xf32>
        %slice3A_154 = vector.extract_strided_slice %mul3A_81 {offsets = [128, 0], sizes = [128, 1], strides = [1, 1]} : vector<256x1xf32> to vector<128x1xf32>
        %slice3A_155 = vector.extract_strided_slice %mul3A_82 {offsets = [128, 0], sizes = [128, 1], strides = [1, 1]} : vector<256x1xf32> to vector<128x1xf32>
        %slice3A_156 = vector.extract_strided_slice %mul3A_83 {offsets = [128, 0], sizes = [128, 1], strides = [1, 1]} : vector<256x1xf32> to vector<128x1xf32>
        %slice3A_157 = vector.extract_strided_slice %mul3A_84 {offsets = [128, 0], sizes = [128, 1], strides = [1, 1]} : vector<256x1xf32> to vector<128x1xf32>
        %slice3A_158 = vector.extract_strided_slice %reshape3A_42 {offsets = [128, 0], sizes = [128, 1], strides = [1, 1]} : vector<256x1xf32> to vector<128x1xf32>
        %max3A_159 = vector.broadcast %slice3A_154 : vector<128x1xf32> to vector<128x256xf32>
        %max3A_160 = vector.broadcast %get3A_103 : vector<1x256xf32> to vector<128x256xf32>
        %max3A_161 = arith.maximumf %max3A_159, %max3A_160 : vector<128x256xf32>
        %max3A_162 = vector.broadcast %slice3A_155 : vector<128x1xf32> to vector<128x256xf32>
        %max3A_163 = vector.broadcast %get3A_106 : vector<1x256xf32> to vector<128x256xf32>
        %max3A_164 = arith.maximumf %max3A_162, %max3A_163 : vector<128x256xf32>
        %min3A_165 = vector.broadcast %slice3A_156 : vector<128x1xf32> to vector<128x256xf32>
        %min3A_166 = vector.broadcast %get3A_109 : vector<1x256xf32> to vector<128x256xf32>
        %min3A_167 = arith.minimumf %min3A_165, %min3A_166 : vector<128x256xf32>
        %min3A_168 = vector.broadcast %slice3A_157 : vector<128x1xf32> to vector<128x256xf32>
        %min3A_169 = vector.broadcast %get3A_112 : vector<1x256xf32> to vector<128x256xf32>
        %min3A_170 = arith.minimumf %min3A_168, %min3A_169 : vector<128x256xf32>
        %sub3A_171 = arith.subf %min3A_167, %max3A_161 : vector<128x256xf32>
        %jit3A_172 = arith.constant 0.000000e+00 : f32
        %max3A_173 = vector.broadcast %jit3A_172 : f32 to vector<128x256xf32>
        %max3A_174 = arith.maximumf %max3A_173, %sub3A_171 : vector<128x256xf32>
        %sub3A_175 = arith.subf %min3A_170, %max3A_164 : vector<128x256xf32>
        %jit3A_176 = arith.constant 0.000000e+00 : f32
        %max3A_177 = vector.broadcast %jit3A_176 : f32 to vector<128x256xf32>
        %max3A_178 = arith.maximumf %max3A_177, %sub3A_175 : vector<128x256xf32>
        %mul3A_179 = arith.mulf %max3A_174, %max3A_178 : vector<128x256xf32>
        %add3A_180 = vector.broadcast %slice3A_158 : vector<128x1xf32> to vector<128x256xf32>
        %add3A_181 = vector.broadcast %get3A_115 : vector<1x256xf32> to vector<128x256xf32>
        %add3A_182 = arith.addf %add3A_180, %add3A_181 : vector<128x256xf32>
        %sub3A_183 = arith.subf %add3A_182, %mul3A_179 : vector<128x256xf32>
        %add3A_184 = arith.constant 9.99999971E-10 : f32
        %add3A_185 = vector.broadcast %add3A_184 : f32 to vector<128x256xf32>
        %add3A_186 = arith.addf %sub3A_183, %add3A_185 : vector<128x256xf32>
        %div3A_187 = arith.divf %mul3A_179, %add3A_186 : vector<128x256xf32>
        %reduce_max3A_188 = arith.constant dense<0xFF800000> : vector<256xf32>
        %reduce_max3A_189 = vector.multi_reduction <maximumf>, %div3A_187, %reduce_max3A_188 [0] : vector<128x256xf32> to vector<256xf32>
        %broadcast_in_dim3A_190 = vector.shape_cast %reduce_max3A_189 : vector<256xf32> to vector<1x256xf32>
        %max3A_191 = arith.maximumf %max3A_153, %broadcast_in_dim3A_190 : vector<1x256xf32>
        %ge3A_192 = arith.constant 5.000000e-01 : f32
        %ge3A_193 = vector.broadcast %ge3A_192 : f32 to vector<1x256xf32>
        %ge3A_194 = arith.cmpf oge, %max3A_191, %ge3A_193 : vector<1x256xf32>
        %jit3A_195 = arith.constant 1.000000e+00 : f32
        %jit3A_196 = arith.constant 0.000000e+00 : f32
        %broadcast_in_dim3A_197 = vector.broadcast %jit3A_195 : f32 to vector<1x256xf32>
        %broadcast_in_dim3A_198 = vector.broadcast %jit3A_196 : f32 to vector<1x256xf32>
        %select_n3A_199 = arith.select %ge3A_194, %broadcast_in_dim3A_197, %broadcast_in_dim3A_198 : vector<1x256xi1>, vector<1x256xf32>
        %get3A_200 = arith.index_cast %while3A_99 : i32 to index
        %get3A_201 = arith.constant 0 : index
        %get3A_202 = vector.load %arg4[%get3A_200, %get3A_201] : memref<79x256xf32, #tpu.memory_space<vmem>>, vector<1x256xf32>
        %sub3A_203 = arith.constant 1.000000e+00 : f32
        %sub3A_204 = vector.broadcast %sub3A_203 : f32 to vector<1x256xf32>
        %sub3A_205 = arith.subf %sub3A_204, %select_n3A_199 : vector<1x256xf32>
        %mul3A_206 = arith.mulf %get3A_202, %sub3A_205 : vector<1x256xf32>
        %swap3A_207 = arith.index_cast %while3A_99 : i32 to index
        %swap3A_208 = arith.constant 0 : index
        %swap3A_209 = vector.load %arg4[%swap3A_207, %swap3A_208] : memref<79x256xf32, #tpu.memory_space<vmem>>, vector<1x256xf32>
        tpu.vector_store %arg4[%swap3A_207, %swap3A_208], %mul3A_206 {strides = array<i32>} : memref<79x256xf32, #tpu.memory_space<vmem>>, vector<1x256xf32>,
        %while3A_210 = arith.constant 0 : i32
        scf.yield %while3A_210 : i32
      }
      %while3A_97 = arith.constant 1 : i32
      %while3A_98 = scf.for %while3A_99 = %while3A_94 to %while3A_90 step %while3A_97 iter_args(%while3A_100 = %while3A_96) -> (i32)  : i32 {
        %get3A_101 = arith.index_cast %while3A_99 : i32 to index
        %get3A_102 = arith.constant 0 : index
        %get3A_103 = vector.load %arg0[%get3A_101, %get3A_102] : memref<79x256xf32, #tpu.memory_space<vmem>>, vector<1x256xf32>
        %get3A_104 = arith.index_cast %while3A_99 : i32 to index
        %get3A_105 = arith.constant 0 : index
        %get3A_106 = vector.load %arg1[%get3A_104, %get3A_105] : memref<79x256xf32, #tpu.memory_space<vmem>>, vector<1x256xf32>
        %get3A_107 = arith.index_cast %while3A_99 : i32 to index
        %get3A_108 = arith.constant 0 : index
        %get3A_109 = vector.load %arg2[%get3A_107, %get3A_108] : memref<79x256xf32, #tpu.memory_space<vmem>>, vector<1x256xf32>
        %get3A_110 = arith.index_cast %while3A_99 : i32 to index
        %get3A_111 = arith.constant 0 : index
        %get3A_112 = vector.load %arg3[%get3A_110, %get3A_111] : memref<79x256xf32, #tpu.memory_space<vmem>>, vector<1x256xf32>
        %get3A_113 = arith.index_cast %while3A_99 : i32 to index
        %get3A_114 = arith.constant 0 : index
        %get3A_115 = vector.load %arg5[%get3A_113, %get3A_114] : memref<79x256xf32, #tpu.memory_space<vmem>>, vector<1x256xf32>
        %broadcast_in_dim3A_116 = arith.constant 0.000000e+00 : f32
        %broadcast_in_dim3A_117 = vector.broadcast %broadcast_in_dim3A_116 : f32 to vector<1x256xf32>
        %slice3A = vector.extract_strided_slice %mul3A_81 {offsets = [0, 0], sizes = [128, 1], strides = [1, 1]} : vector<256x1xf32> to vector<128x1xf32>
        %slice3A_118 = vector.extract_strided_slice %mul3A_82 {offsets = [0, 0], sizes = [128, 1], strides = [1, 1]} : vector<256x1xf32> to vector<128x1xf32>
        %slice3A_119 = vector.extract_strided_slice %mul3A_83 {offsets = [0, 0], sizes = [128, 1], strides = [1, 1]} : vector<256x1xf32> to vector<128x1xf32>
        %slice3A_120 = vector.extract_strided_slice %mul3A_84 {offsets = [0, 0], sizes = [128, 1], strides = [1, 1]} : vector<256x1xf32> to vector<128x1xf32>
        %slice3A_121 = vector.extract_strided_slice %reshape3A_42 {offsets = [0, 0], sizes = [128, 1], strides = [1, 1]} : vector<256x1xf32> to vector<128x1xf32>
        %max3A_122 = vector.broadcast %slice3A : vector<128x1xf32> to vector<128x256xf32>
        %max3A_123 = vector.broadcast %get3A_103 : vector<1x256xf32> to vector<128x256xf32>
        %max3A_124 = arith.maximumf %max3A_122, %max3A_123 : vector<128x256xf32>
        %max3A_125 = vector.broadcast %slice3A_118 : vector<128x1xf32> to vector<128x256xf32>
        %max3A_126 = vector.broadcast %get3A_106 : vector<1x256xf32> to vector<128x256xf32>
        %max3A_127 = arith.maximumf %max3A_125, %max3A_126 : vector<128x256xf32>
        %min3A_128 = vector.broadcast %slice3A_119 : vector<128x1xf32> to vector<128x256xf32>
        %min3A_129 = vector.broadcast %get3A_109 : vector<1x256xf32> to vector<128x256xf32>
        %min3A_130 = arith.minimumf %min3A_128, %min3A_129 : vector<128x256xf32>
        %min3A_131 = vector.broadcast %slice3A_120 : vector<128x1xf32> to vector<128x256xf32>
        %min3A_132 = vector.broadcast %get3A_112 : vector<1x256xf32> to vector<128x256xf32>
        %min3A_133 = arith.minimumf %min3A_131, %min3A_132 : vector<128x256xf32>
        %sub3A_134 = arith.subf %min3A_130, %max3A_124 : vector<128x256xf32>
        %jit3A_135 = arith.constant 0.000000e+00 : f32
        %max3A_136 = vector.broadcast %jit3A_135 : f32 to vector<128x256xf32>
        %max3A_137 = arith.maximumf %max3A_136, %sub3A_134 : vector<128x256xf32>
        %sub3A_138 = arith.subf %min3A_133, %max3A_127 : vector<128x256xf32>
        %jit3A_139 = arith.constant 0.000000e+00 : f32
        %max3A_140 = vector.broadcast %jit3A_139 : f32 to vector<128x256xf32>
        %max3A_141 = arith.maximumf %max3A_140, %sub3A_138 : vector<128x256xf32>
        %mul3A_142 = arith.mulf %max3A_137, %max3A_141 : vector<128x256xf32>
        %add3A_143 = vector.broadcast %slice3A_121 : vector<128x1xf32> to vector<128x256xf32>
        %add3A_144 = vector.broadcast %get3A_115 : vector<1x256xf32> to vector<128x256xf32>
        %add3A_145 = arith.addf %add3A_143, %add3A_144 : vector<128x256xf32>
        %sub3A_146 = arith.subf %add3A_145, %mul3A_142 : vector<128x256xf32>
        %add3A_147 = arith.constant 9.99999971E-10 : f32
        %add3A_148 = vector.broadcast %add3A_147 : f32 to vector<128x256xf32>
        %add3A_149 = arith.addf %sub3A_146, %add3A_148 : vector<128x256xf32>
        %div3A_150 = arith.divf %mul3A_142, %add3A_149 : vector<128x256xf32>
        %reduce_max3A = arith.constant dense<0xFF800000> : vector<256xf32>
        %reduce_max3A_151 = vector.multi_reduction <maximumf>, %div3A_150, %reduce_max3A [0] : vector<128x256xf32> to vector<256xf32>
        %broadcast_in_dim3A_152 = vector.shape_cast %reduce_max3A_151 : vector<256xf32> to vector<1x256xf32>
        %max3A_153 = arith.maximumf %broadcast_in_dim3A_117, %broadcast_in_dim3A_152 : vector<1x256xf32>
        %slice3A_154 = vector.extract_strided_slice %mul3A_81 {offsets = [128, 0], sizes = [128, 1], strides = [1, 1]} : vector<256x1xf32> to vector<128x1xf32>
        %slice3A_155 = vector.extract_strided_slice %mul3A_82 {offsets = [128, 0], sizes = [128, 1], strides = [1, 1]} : vector<256x1xf32> to vector<128x1xf32>
        %slice3A_156 = vector.extract_strided_slice %mul3A_83 {offsets = [128, 0], sizes = [128, 1], strides = [1, 1]} : vector<256x1xf32> to vector<128x1xf32>
        %slice3A_157 = vector.extract_strided_slice %mul3A_84 {offsets = [128, 0], sizes = [128, 1], strides = [1, 1]} : vector<256x1xf32> to vector<128x1xf32>
        %slice3A_158 = vector.extract_strided_slice %reshape3A_42 {offsets = [128, 0], sizes = [128, 1], strides = [1, 1]} : vector<256x1xf32> to vector<128x1xf32>
        %max3A_159 = vector.broadcast %slice3A_154 : vector<128x1xf32> to vector<128x256xf32>
        %max3A_160 = vector.broadcast %get3A_103 : vector<1x256xf32> to vector<128x256xf32>
        %max3A_161 = arith.maximumf %max3A_159, %max3A_160 : vector<128x256xf32>
        %max3A_162 = vector.broadcast %slice3A_155 : vector<128x1xf32> to vector<128x256xf32>
        %max3A_163 = vector.broadcast %get3A_106 : vector<1x256xf32> to vector<128x256xf32>
        %max3A_164 = arith.maximumf %max3A_162, %max3A_163 : vector<128x256xf32>
        %min3A_165 = vector.broadcast %slice3A_156 : vector<128x1xf32> to vector<128x256xf32>
        %min3A_166 = vector.broadcast %get3A_109 : vector<1x256xf32> to vector<128x256xf32>
        %min3A_167 = arith.minimumf %min3A_165, %min3A_166 : vector<128x256xf32>
        %min3A_168 = vector.broadcast %slice3A_157 : vector<128x1xf32> to vector<128x256xf32>
        %min3A_169 = vector.broadcast %get3A_112 : vector<1x256xf32> to vector<128x256xf32>
        %min3A_170 = arith.minimumf %min3A_168, %min3A_169 : vector<128x256xf32>
        %sub3A_171 = arith.subf %min3A_167, %max3A_161 : vector<128x256xf32>
        %jit3A_172 = arith.constant 0.000000e+00 : f32
        %max3A_173 = vector.broadcast %jit3A_172 : f32 to vector<128x256xf32>
        %max3A_174 = arith.maximumf %max3A_173, %sub3A_171 : vector<128x256xf32>
        %sub3A_175 = arith.subf %min3A_170, %max3A_164 : vector<128x256xf32>
        %jit3A_176 = arith.constant 0.000000e+00 : f32
        %max3A_177 = vector.broadcast %jit3A_176 : f32 to vector<128x256xf32>
        %max3A_178 = arith.maximumf %max3A_177, %sub3A_175 : vector<128x256xf32>
        %mul3A_179 = arith.mulf %max3A_174, %max3A_178 : vector<128x256xf32>
        %add3A_180 = vector.broadcast %slice3A_158 : vector<128x1xf32> to vector<128x256xf32>
        %add3A_181 = vector.broadcast %get3A_115 : vector<1x256xf32> to vector<128x256xf32>
        %add3A_182 = arith.addf %add3A_180, %add3A_181 : vector<128x256xf32>
        %sub3A_183 = arith.subf %add3A_182, %mul3A_179 : vector<128x256xf32>
        %add3A_184 = arith.constant 9.99999971E-10 : f32
        %add3A_185 = vector.broadcast %add3A_184 : f32 to vector<128x256xf32>
        %add3A_186 = arith.addf %sub3A_183, %add3A_185 : vector<128x256xf32>
        %div3A_187 = arith.divf %mul3A_179, %add3A_186 : vector<128x256xf32>
        %reduce_max3A_188 = arith.constant dense<0xFF800000> : vector<256xf32>
        %reduce_max3A_189 = vector.multi_reduction <maximumf>, %div3A_187, %reduce_max3A_188 [0] : vector<128x256xf32> to vector<256xf32>
        %broadcast_in_dim3A_190 = vector.shape_cast %reduce_max3A_189 : vector<256xf32> to vector<1x256xf32>
        %max3A_191 = arith.maximumf %max3A_153, %broadcast_in_dim3A_190 : vector<1x256xf32>
        %ge3A_192 = arith.constant 5.000000e-01 : f32
        %ge3A_193 = vector.broadcast %ge3A_192 : f32 to vector<1x256xf32>
        %ge3A_194 = arith.cmpf oge, %max3A_191, %ge3A_193 : vector<1x256xf32>
        %jit3A_195 = arith.constant 1.000000e+00 : f32
        %jit3A_196 = arith.constant 0.000000e+00 : f32
        %broadcast_in_dim3A_197 = vector.broadcast %jit3A_195 : f32 to vector<1x256xf32>
        %broadcast_in_dim3A_198 = vector.broadcast %jit3A_196 : f32 to vector<1x256xf32>
        %select_n3A_199 = arith.select %ge3A_194, %broadcast_in_dim3A_197, %broadcast_in_dim3A_198 : vector<1x256xi1>, vector<1x256xf32>
        %get3A_200 = arith.index_cast %while3A_99 : i32 to index
        %get3A_201 = arith.constant 0 : index
        %get3A_202 = vector.load %arg4[%get3A_200, %get3A_201] : memref<79x256xf32, #tpu.memory_space<vmem>>, vector<1x256xf32>
        %sub3A_203 = arith.constant 1.000000e+00 : f32
        %sub3A_204 = vector.broadcast %sub3A_203 : f32 to vector<1x256xf32>
        %sub3A_205 = arith.subf %sub3A_204, %select_n3A_199 : vector<1x256xf32>
        %mul3A_206 = arith.mulf %get3A_202, %sub3A_205 : vector<1x256xf32>
        %swap3A_207 = arith.index_cast %while3A_99 : i32 to index
        %swap3A_208 = arith.constant 0 : index
        %swap3A_209 = vector.load %arg4[%swap3A_207, %swap3A_208] : memref<79x256xf32, #tpu.memory_space<vmem>>, vector<1x256xf32>
        tpu.vector_store %arg4[%swap3A_207, %swap3A_208], %mul3A_206 {strides = array<i32>} : memref<79x256xf32, #tpu.memory_space<vmem>>, vector<1x256xf32>,
        %while3A_210 = arith.constant 0 : i32
        scf.yield %while3A_210 : i32
      }
    }
    %scan3A_22 = arith.constant 79 : i32
    return
  }
}

</mosaic_0001>

<sc_bundles>
// kernel: gather_offload_async_start.1
scs
__scs_entry_jumppad:
0x0: {  	(pc) =	sbr.rel $0x88, $3  }
0x1: {  	(tag) =	ssettag $0x0;
	lr =	simm.s32 $0x1  }
0x2: {  	[smem:$0x3F9F] =	sst lr;
	_ =	strace $0xD0000000  }
0x3: {  	_ = 	snop  }
0x4: {  	_ = 	snop  }
0x5: {  	_ = 	snop  }
0x6: {  	_ = 	snop  }
0x7: {  	_ = 	snop  }
__scs_overlays_trampoline_lowered:
0x8: {  	[smem:$0x3FAE] =	sst s0  }
0x9: {  	[smem:$0x3FAF] =	sst s1  }
0xa: {  	[smem:$0x3FB0] =	sst s2  }
0xb: {  	[smem:$0x3FB1] =	sst s3  }
0xc: {  	[smem:$0x3FB2] =	sst s4  }
0xd: {  	[smem:$0x3FB3] =	sst s5  }
0xe: {  	[smem:$0x3FB4] =	sst s6  }
0xf: {  	[smem:$0x3FB5] =	sst s7  }
0x10: {  	[smem:$0x3FB6] =	sst s8  }
0x11: {  	[smem:$0x3FB7] =	sst s9;
	s0 =	simm.s32 @!p0 $0x0  }
0x12: {  	s1 =	sld [smem:$0x3F9D];
	s0 =	simm.s32 @p0 $0x1  }
0x13: {  	[smem:$0x3FB8] =	sst s0;
	s0 =	simm.s32 @!p1 $0x0  }
0x14: {  	s2 =	sld [smem:$0x3F9C];
	s0 =	simm.s32 @p1 $0x1  }
0x15: {  	[smem:$0x3FB9] =	sst s0;
	s0 =	simm.s32 @!p2 $0x0  }
0x16: {  	s3 =	sld [smem:$0x3FDB];
	s0 =	simm.s32 @p2 $0x1  }
0x17: {  	s4 =	simm.s32 $0x1BF5;
	[smem:$0x3FBB] =	sst s0  }
0x18: {  	s0 =	sld [smem:$0x3F9E];
	_ =	swait.ge [sflag:s4], $0x0  }
0x19: {  	s7 =	sld [smem:$0x3F9F]  }
0x1a: {  	s8 =	sadd.s32 $0xFFFFE003, lr  }
0x1b: {  	s9 =	sadd.s32 $0xFFFFFEF7, lr;
	s5 =	simm.s32 $0xFFFFFFFF;
	p2 =	slt.u32 s8, $0xFFFFF086  }
0x1c: {  	p1 =	slt.u32 s9, $0xF7A;
	s5 =	simm.s32 @!p2 $0x0  }
0x1d: {  	s5 =	simm.s32 @p1 $0x1;
	p0 =	seq.s32 s7, s2  }
0x1e: {  	s7 =	smul.u32 @!p0 $0xF7A, s2;
	p2 =	seq.s32 @!p0 s5, $0x0  }
0x1f: {  	s9 =	smul.u32 $0xF7A, s1;
	s8 =	simm.s32 @!p0 $0x1BF5;
	p2 =	por !p2, p0  }
0x20: {  	[sflag:s8] =	ssyncset.s32 @!p0 $0xFFFFF086;
	s6 =	sadd.s32 @!p0 s3, s7;
	s7 =	simm.s32 @!p0 $0x108  }
0x21: {  	s3 =	sadd.s32 s3, s9;
	s6 =	sadd.s32 @!p0 $0x88, s6;
	s7 =	simm.s32 @p2 $0x1082  }
0x22: {  	[simem:s7], [sflag:s8] =	dma.local @!p0 [hbm:s6], $0xF7A  }
0x23: {  	s9 =	sor.u32 $0xD0000000, s2;
	s6 =	simm.s32 $0x108;
	_ =	swait.ge @!p0 [sflag:s8], $0x0  }
0x24: {  	s3 =	sadd.s32 $0x88, s3;
	s6 =	simm.s32 @!p1 $0x1082;
	[sflag:s4] =	ssyncset.s32 $0xFFFFF086  }
0x25: {  	[simem:s6], [sflag:s4] =	dma.local [hbm:s3], $0xF7A  }
0x26: {  	[smem:$0x3F9F] =	sst s1;
	(tag) =	ssettag s2;
	_ =	strace s9  }
0x27: {  	s1 =	sld [smem:$0x3FAF]  }
0x28: {  	s2 =	sld [smem:$0x3FB0]  }
0x29: {  	s4 =	sld [smem:$0x3FB2]  }
0x2a: {  	p0 =	seq.s32 s5, $0x0;
	s5 =	sld [smem:$0x3FB3]  }
0x2b: {  	s6 =	sld [smem:$0x3FB4]  }
0x2c: {  	s7 =	sld [smem:$0x3FB5]  }
0x2d: {  	s3 =	simm.s32 $0x108;
	s8 =	sld [smem:$0x3FB6]  }
0x2e: {  	s3 =	simm.s32 @!p0 $0x1082;
	s9 =	sld [smem:$0x3FB7]  }
0x2f: {  	lr =	sadd.s32 s0, s3;
	s0 =	sld [smem:$0x3FAE]  }
0x30: {  	s3 =	sld [smem:$0x3FB1]  }
0x31: {  	[smem:$0x3FBA] =	sst s10  }
0x32: {  	s10 =	sld [smem:$0x3FB8];
	_ =	sdelay $0x3  }
0x33: {  	p0 =	seq.s32 s10, $0x1;
	s10 =	sld [smem:$0x3FBA];
	_ =	sdelay $0x3  }
0x34: {  	[smem:$0x3FBA] =	sst s10  }
0x35: {  	s10 =	sld [smem:$0x3FB9];
	_ =	sdelay $0x3  }
0x36: {  	p1 =	seq.s32 s10, $0x1;
	s10 =	sld [smem:$0x3FBA];
	_ =	sdelay $0x3  }
0x37: {  	[smem:$0x3FBA] =	sst s10  }
0x38: {  	s10 =	sld [smem:$0x3FBB]  }
0x39: {  	_ = 	snop;
	(pc) =	sbr.ind lr, $3  }
0x3a: {  	_ = 	snop  }
0x3b: {  	_ = 	snop  }
0x3c: {  	p2 =	seq.s32 s10, $0x1;
	s10 =	sld [smem:$0x3FBA]  }
0x3d: {  	_ =	shalt  }
0x3e: {  	_ =	shalt  }
0x3f: {  	_ =	shalt  }
0x40: {  	_ =	shalt  }
0x41: {  	_ =	shalt  }
0x42: {  	_ =	shalt  }
0x43: {  	_ =	shalt  }
0x44: {  	_ =	shalt  }
0x45: {  	_ =	shalt  }
0x46: {  	_ =	shalt  }
0x47: {  	_ =	shalt  }
0x48: {  	_ =	shalt  }
0x49: {  	_ =	shalt  }
0x4a: {  	_ =	shalt  }
0x4b: {  	_ =	shalt  }
0x4c: {  	_ =	shalt  }
0x4d: {  	_ =	shalt  }
0x4e: {  	_ =	shalt  }
0x4f: {  	_ =	shalt  }
0x50: {  	_ =	shalt  }
0x51: {  	_ =	shalt  }
0x52: {  	_ =	shalt  }
0x53: {  	_ =	shalt  }
0x54: {  	_ =	shalt  }
0x55: {  	_ =	shalt  }
0x56: {  	_ =	shalt  }
0x57: {  	_ =	shalt  }
0x58: {  	_ =	shalt  }
0x59: {  	_ =	shalt  }
0x5a: {  	_ =	shalt  }
0x5b: {  	_ =	shalt  }
0x5c: {  	_ =	shalt  }
0x5d: {  	_ =	shalt  }
0x5e: {  	_ =	shalt  }
0x5f: {  	_ =	shalt  }
0x60: {  	_ =	shalt  }
0x61: {  	_ =	shalt  }
0x62: {  	_ =	shalt  }
0x63: {  	_ =	shalt  }
0x64: {  	_ =	shalt  }
0x65: {  	_ =	shalt  }
0x66: {  	_ =	shalt  }
0x67: {  	_ =	shalt  }
0x68: {  	_ =	shalt  }
0x69: {  	_ =	shalt  }
0x6a: {  	_ =	shalt  }
0x6b: {  	_ =	shalt  }
0x6c: {  	_ =	shalt  }
0x6d: {  	_ =	shalt  }
0x6e: {  	_ =	shalt  }
0x6f: {  	_ =	shalt  }
0x70: {  	_ =	shalt  }
0x71: {  	_ =	shalt  }
0x72: {  	_ =	shalt  }
0x73: {  	_ =	shalt  }
0x74: {  	_ =	shalt  }
0x75: {  	_ =	shalt  }
0x76: {  	_ =	shalt  }
0x77: {  	_ =	shalt  }
0x78: {  	_ =	shalt  }
0x79: {  	_ =	shalt  }
0x7a: {  	_ =	shalt  }
0x7b: {  	_ =	shalt  }
0x7c: {  	_ =	shalt  }
0x7d: {  	_ =	shalt  }
0x7e: {  	_ =	shalt  }
0x7f: {  	_ =	shalt  }
0x80: {  	_ =	shalt  }
0x81: {  	_ =	shalt  }
0x82: {  	_ =	shalt  }
0x83: {  	_ =	shalt  }
0x84: {  	_ =	shalt  }
0x85: {  	_ =	shalt  }
0x86: {  	_ =	shalt  }
0x87: {  	_ =	shalt  }
.Lfunc_end0:
.L_simem_size_0:
called_computation.1_lowered:
.L_overlay_start_0:
0x88: {  	s2 =	sld [smem:$0x3FD9]  }
0x89: {  	s3 =	sld [smem:$0x3FFE];
	_ =	sdelay $0x1  }
0x8a: {  	s1 =	srdreg.scid  }
0x8b: {  	s0 =	sand.u32 $0x1, s1  }
0x8c: {  	s17 =	sshll.u32 s0, $0xA;
	s2 =	sadd.s32 s3, s2  }
0x8d: {  	s2 =	sadd.s32 s2, s17  }
0x8e: {  	[smem:$0x3FC6] =	sst s2  }
0x8f: {  	_ = 	snop  }
0x90: {  	s2 =	sld [smem:$0x3FC8]  }
0x91: {  	s18 =	sld [smem:$0x3FD0];
	(tm) =	ssettm $0x1  }
0x92: {  	s4 =	sld [smem:$0x3FFB];
	_ =	sdelay $0x3  }
0x93: {  	_ =	strace s4  }
0x94: {  	s4 =	sld [smem:$0x3FFC];
	_ =	sdelay $0x3  }
0x95: {  	_ =	strace s4  }
0x96: {  	s4 =	sld [smem:$0x3FFD];
	_ =	sdelay $0x3  }
0x97: {  	_ =	strace s4  }
0x98: {  	_ =	strace $0x8FFFFFFF  }
0x99: {  	s19 =	sld [smem:$0x3FDB];
	_ =	sdelay $0x1  }
0x9a: {  	s5 =	simm.s32 $_scs_section_size  }
0x9b: {  	s6 =	simm.s32 $_size__tile_overlayer_lowered;
	s7 =	simm.s32 $_tile_overlayer_lowered  }
0x9c: {  	s22 =	simm.s32 $0x1BFF;
	s21 =	sshll.u32 s7, $0x1;
	s4 =	sadd.s32 s5, s19  }
0x9d: {  	s8 =	simm.s32 $0x0;
	s20 =	sshll.u32 s6, $0x1;
	s6 =	sadd.s32 s21, s4  }
0x9e: {  	[timem:s8], [sflag:s22] =	dma.local [hbm:s6], s20  }
0x9f: {  	_ =	swait.ge [sflag:s22], s20  }
0xa0: {  	s5 =	ssub.s32 $0x0, s20;
	[sflag:s22] =	ssyncset.done $0x0  }
0xa1: {  	[sflag:s22] =	ssyncadd.s32 s5;
	_ =	sdelay $0x1  }
0xa2: {  	s23 =	simm.s32 $0x1B8B  }
0xa3: {  	_ =	swait.ge [sflag:s23], $0x1  }
0xa4: {  	[sflag:s23] =	ssyncset.done $0x0  }
0xa5: {  	s25 =	simm.s32 $0x1B8E;
	s24 =	sld [smem:$0x3FFE];
	[sflag:s23] =	ssyncadd.s32 $0xFFFFFFFF  }
0xa6: {  	s26 =	simm.s32 $execute0_lowered;
	[smem:$0x3FD2] =	sst s25  }
0xa7: {  	s6 =	sshll.u32 s26, $0x1;
	_ =	strace $0x80000049;
	[dreg:$0x1] =	wrdreg $0xFFFFFFFF  }
0xa8: {  	s28 =	simm.s32 $_size_execute0_lowered;
	s4 =	sadd.s32 s4, s6;
	[dreg:$0x0] =	wrdreg $0x0  }
0xa9: {  	s6 =	sshll.u32 s28, $0x1;
	[dreg:$0x2] =	wrdreg s4  }
0xaa: {  	[dreg:$0x3] =	wrdreg s6  }
0xab: {  	[dreg:$0x4] =	wrdreg $0xC0  }
0xac: {  	_ =	task [dreg:s8], $0x5FFFF  }
0xad: {  	[dreg:$0x1] =	wrdreg $0xFFFFFFFF  }
0xae: {  	[dreg:$0x0] =	wrdreg $0x60  }
0xaf: {  	[dreg:$0x2] =	wrdreg s2  }
0xb0: {  	[dreg:$0x3] =	wrdreg s18  }
0xb1: {  	[dreg:$0x4] =	wrdreg s24  }
0xb2: {  	[dreg:$0x5] =	wrdreg $0x9  }
0xb3: {  	_ =	task.clear_ibuf [dreg:s8], $0x6FFFF;
	_ =	strace $0x90000049  }
0xb4: {  	s29 =	simm.s32 $0x9;
	_ =	strace $0x8000004B  }
0xb5: {  	_ =	swait.ge [sflag:s29], $0x1  }
0xb6: {  	[sflag:s29] =	ssyncadd.s32 $0xFFFFFFFF  }
0xb7: {  	_ =	strace $0x9000004B  }
0xb8: {  	_ =	sfence  }
0xb9: {  	s30 =	sld [smem:$0x0];
	_ =	sdelay $0x2  }
0xba: {  	s31 =	sshll.u32 s1, $0xD;
	s1 =	sshrl.u32 s1, $0x2  }
0xbb: {  	s3 =	sand.u32 $0x4000, s31;
	s1 =	sadd.s32 s1, s30  }
0xbc: {  	s0 =	sor.u32 s3, s0;
	s1 =	sshll.u32 s1, $0x11  }
0xbd: {  	s0 =	sor.u32 s1, s0  }
0xbe: {  	s0 =	sadd.s32 $0x8F2B, s0  }
0xbf: {  	[sflag:s0] =	ssyncadd.remote.s32 $0x1  }
0xc0: {  	_ =	sfence.sel $0xFFFF  }
0xc1: {  	[dreg:$0x0] =	wrdreg $0xFFFFFFFF;
	(pc) =	sbr.abs _section_cstart, $3  }
0xc2: {  	[dreg:$0x1] =	wrdreg $0xFFFFFFFF  }
0xc3: {  	_ =	task.clear_ibuf [dreg:s8], $0x2FFFF;
	_ =	strace $0x9FFFFFFF  }
0xc4: {  	(tm) =	ssettm $0x7FFFFFFF  }
0xc5: {  	_ =	shalt  }
tec
execute0_lowered:
.L_overlay_start_1:
0x0: {  	(tag) =	ssettag $0x1  }
0x1: {  	s2 =	rddreg [dreg:$0x0]  }
0x2: {  	s3 =	rddreg [dreg:$0x1]  }
0x3: {  	s4 =	rddreg [dreg:$0x2];
	s1 =	stileid.u32  }
0x4: {  	s5 =	srdreg.scid;
	s0 =	rddreg [dreg:$0x3]  }
0x5: {  	_ =	strace $0x8000004A;
	s8 =	simm.s32 $0x1;
	s9 =	simm.s32 $0x1  }
0x6: {  	s10 =	simm.s32 $0x3;
	s6 =	sand.u32 $0x1, s5;
	s7 =	sshll.u32 s1, $0x1  }
0x7: {  	s13 =	simm.s32 $0x0;
	s5 =	simm.s32 $0x1;
	s6 =	sor.u32 s7, s6  }
.Ltmp0:
0x8: {  	[sflag:s5] =	ssyncpa.u1 $0x0;
	p0 =	slt.u32 s6, $0x13;
	(pc) =	sbr.rel .LBB2_1-.Ltmp0, $4  }
0x9: {  	s7 =	simm.s32 $0x2;
	s8 =	simm.s32 @!p0 $0x0;
	p0 =	sne.s32 s6, $0x12  }
0xa: {  	[sflag:s7] =	ssyncpa.u1 $0x0;
	s6 =	smul.u32 $0x190, s6;
	s9 =	simm.s32 @!p0 $0x0  }
0xb: {  	s12 =	simm.s32 $0x0;
	[sflag:s10] =	ssyncpa.u1 $0x0;
	s8 =	sadd.s32 s9, s8  }
0xc: {  	vm0 =	vmmov $0xffff;
	s10 =	simm.s32 $0x0;
	s11 =	smov.u32 s6;
	s9 =	sadd.s32 $0x1, s8  }
.LBB2_4:
0xd: {  	v2 =	vnsel vm1, $0x0, v2  }
0xe: {  	vm1 =	vgt.s32 v0, $0x0;
	v2 =	vmin.u32 v2, $0x4E1F  }
0xf: {  	v0 =	vnsel vm1, $0x0, v0  }
0x10: {  	v0 =	vmin.u32 v0, $0x4E1F  }
0x11: {  	[tilespmem:s18], [sflag:$0x1] =	stream.indirect_vreg.gather [hbm4b:s2+s10], $0x1, v1, vm0, $0x4038;
	[tilespmem:$0x640] =	vst v63  }
0x12: {  	(ifvalue) =	ssetifvalue $0x7FFFFFFF  }
0x13: {  	[tilespmem:s15], [sflag:$0x1] =	stream.indirect_vreg.gather [hbm4b:s2+s10], $0x1, v2, vm0, $0x4038;
	[tilespmem:$0x640] =	vst v63  }
0x14: {  	s29 =	sadd.s32 $0x10, s15;
	(ifvalue) =	ssetifvalue $0x7FFFFFFF  }
0x15: {  	[tilespmem:s29], [sflag:$0x1] =	stream.indirect_vreg.gather [hbm4b:s2+s10], $0x1, v0, vm0, $0x4038;
	[tilespmem:$0x640] =	vst v63  }
0x16: {  	_ =	swait.ge [sflag:s5], $0x190  }
0x17: {  	s30 =	sshrl.u32 s13, $0x3;
	[sflag:s5] =	ssyncset.done $0x0  }
0x18: {  	s31 =	sand.u32 $0x7, s13;
	s15 =	sadd.s32 s4, s30;
	[sflag:s5] =	ssyncadd.s32 $0xFFFFFE70  }
0x19: {  	[hbm4b:s15+s31] =	stream.linear.scatter [tilespmem:s14], [sflag:$0x3], $0x190, $0x38;
	[tilespmem:$0x640] =	vst v63  }
.LBB2_5:
0x1a: {  	s15 =	sadd.s32 $0x3200, s11  }
0x1b: {  	p1 =	sgt.s32 s15, $0x4E1F  }
0x1c: {  	s15 =	smov.u32 @p1 s6;
	p1 =	sne.s32 s12, s9  }
.Ltmp1:
0x1d: {  	p0 =	slt.u32 s12, $0x2;
	(pc) =	sbr.rel @!p1 .LBB2_6-.Ltmp1, $4  }
0x1e: {  	s14 =	simm.s32 @!p0 $0x3  }
0x1f: {  	_ =	swait.ge @!p0 [sflag:s14], $0x190  }
0x20: {  	s16 =	sadd.s32 $0x1, s12;
	s13 =	smov.u32 s11;
	[sflag:s14] =	ssyncset.done @!p0 $0x0  }
0x21: {  	s12 =	smov.u32 s16;
	s11 =	smov.u32 s15;
	[sflag:s14] =	ssyncadd.s32 @!p0 $0xFFFFFE70  }
.LBB2_1:
0x22: {  	p0 =	sge.u32 s12, s8  }
0x23: {  	s14 =	sxor.u32 @!p0 $0x1, s12  }
0x24: {  	s14 =	smul.u32 @!p0 $0x640, s14  }
0x25: {  	s31 =	sadd.s32 $0xFFFFFFFF, s12;
	s15 =	sshrl.u32 @!p0 s11, $0x3  }
0x26: {  	s16 =	sand.u32 @!p0 $0x7, s11;
	s15 =	sadd.s32 @!p0 s3, s15;
	s14 =	sshra.s32 @!p0 s14, $0x2  }
0x27: {  	[tilespmem:s14], [sflag:$0x2] =	stream.linear.gather @!p0 [hbm4b:s15+s16], $0x190, $0x38;
	[tilespmem:$0x640] =	vst v63  }
0x28: {  	p0 =	sge.u32 s31, s8  }
.Ltmp2:
0x29: {  	_ = 	snop;
	(pc) =	sbr.rel @p0 .LBB2_5-.Ltmp2, $1  }
0x2a: {  	_ =	sdelay $0x3  }
0x2b: {  	s14 =	sand.u32 $0x1, s12  }
0x2c: {  	_ =	swait.ge [sflag:s7], $0x190;
	p0 =	seq.s32 s14, $0x1;
	s14 =	simm.s32 $0x190  }
0x2d: {  	[sflag:s7] =	ssyncset.done $0x0;
	s14 =	simm.s32 @!p0 $0x0  }
0x2e: {  	[sflag:s7] =	ssyncadd.s32 $0xFFFFFE70;
	(ifvalue) =	ssetifvalue $0x7FFFFFFF;
	v0 =	vld.msk [tilespmem:s14+$0x0 ss:$0x1], $0xffff;
	_ =	sdelay $0x4  }
0x2f: {  	s15 =	sadd.s32 $0x10, s14;
	vm1 =	vgt.s32 v0, $0x0  }
0x30: {  	v2 =	vld.msk [tilespmem:s15+$0x0 ss:$0x1], $0xffff;
	v1 =	vnsel vm1, $0x0, v0  }
0x31: {  	v1 =	vmin.u32 v1, $0x4E1F;
	_ =	sdelay $0x2  }
0x32: {  	s17 =	simm.s32 $0x20;
	s14 =	sadd.s32 $0x320, s14;
	s16 =	sadd.s32 $0x10, s15  }
0x33: {  	s15 =	sadd.s32 $0x10, s14;
	s18 =	smov.u32 s14;
	v0 =	vld.msk [tilespmem:s16+$0x0 ss:$0x1], $0xffff;
	vm1 =	vgt.s32 v2, $0x0;
	(ifvalue) =	ssetifvalue $0x7FFFFFFF  }
.LBB2_3:
0x34: {  	[tilespmem:s18], [sflag:$0x1] =	stream.indirect_vreg.gather [hbm4b:s2+s10], $0x1, v1, vm0, $0x4038;
	[tilespmem:$0x640] =	vst v63  }
0x35: {  	s17 =	sadd.s32 $0x10, s17  }
0x36: {  	v2 =	vnsel vm1, $0x0, v2;
	p0 =	slt.u32 s17, $0x180  }
.Ltmp3:
0x37: {  	s18 =	smov.u32 s15;
	v1 =	vmin.u32 v2, $0x4E1F;
	(pc) =	sbr.rel @p0 .LBB2_3-.Ltmp3, $3  }
0x38: {  	_ =	sdelay $0x1  }
0x39: {  	s16 =	sadd.s32 $0x10, s16  }
0x3a: {  	vm1 =	vgt.s32 v0, $0x0;
	s15 =	sadd.s32 $0x10, s15;
	v2 =	vmov v0;
	(ifvalue) =	ssetifvalue $0x7FFFFFFF;
	v0 =	vld.msk [tilespmem:s16+$0x0 ss:$0x1], $0xffff  }
.Ltmp4:
0x3b: {  	_ = 	snop;
	(pc) =	sbr.rel .LBB2_4-.Ltmp4, $1  }
0x3c: {  	_ =	sdelay $0x3  }
.LBB2_6:
0x3d: {  	_ =	sfence.sel $0x180000  }
0x3e: {  	s2 =	simm.s32 $0x2;
	[bflag:$0x0] =	sbarrier.arrive $0xFFFF  }
0x3f: {  	s30 =	simm.s32 $0x3;
	[sflag:s2] =	ssyncpa.u1 $0x1  }
0x40: {  	s31 =	simm.s32 $0x1;
	[sflag:s30] =	ssyncpa.u1 $0x1  }
0x41: {  	[sflag:s31] =	ssyncpa.u1 $0x1  }
0x42: {  	p0 =	sne.s32 s1, $0x0;
	_ =	strace $0x9000004A  }
0x43: {  	s0 =	sadd.s32 @!p0 $0x100000, s0;
	[bflag:$0x2] =	sbarrier.arrive $0xFFFF  }
0x44: {  	[sflag:s0] =	ssyncadd.tile.s32 @!p0 $0x1;
	_ =	shalt  }
.Lfunc_end2:
_tile_overlayer_lowered:
.L_overlay_start_2:
0x45: {  	(tag) =	ssettag $0x2  }
0x46: {  	s0 =	rddreg [dreg:$0x0];
	s2 =	stileid.u32  }
0x47: {  	s1 =	rddreg [dreg:$0x1];
	p0 =	sne.s32 s2, $0x0  }
0x48: {  	s3 =	rddreg [dreg:$0x2];
	[bflag:$0x3] =	sbarrier.arrive $0xFFFF;
	s2 =	simm.s32 @!p0 $0x1C01  }
0x49: {  	[timem:s3], [sflag:s2] =	dma.local @!p0 [hbm:s0], s1  }
0x4a: {  	s0 =	simm.s32 @!p0 $0x1  }
0x4b: {  	_ =	swait.ge @!p0 [sflag:s0], s1  }
0x4c: {  	s1 =	ssub.s32 @!p0 $0x0, s1;
	[sflag:s0] =	ssyncset.done @!p0 $0x0  }
0x4d: {  	[sflag:s0] =	ssyncadd.s32 @!p0 s1  }
0x4e: {  	[bflag:$0x3] =	sbarrier.arrive $0xFFFF  }
0x4f: {  	_ =	shalt  }

// kernel: gather_offload_async_start
scs
__scs_entry_jumppad:
0x0: {  	(pc) =	sbr.rel $0x88, $3  }
0x1: {  	(tag) =	ssettag $0x0;
	lr =	simm.s32 $0x1  }
0x2: {  	[smem:$0x3F9F] =	sst lr;
	_ =	strace $0xD0000000  }
0x3: {  	_ = 	snop  }
0x4: {  	_ = 	snop  }
0x5: {  	_ = 	snop  }
0x6: {  	_ = 	snop  }
0x7: {  	_ = 	snop  }
__scs_overlays_trampoline_lowered:
0x8: {  	[smem:$0x3FAE] =	sst s0  }
0x9: {  	[smem:$0x3FAF] =	sst s1  }
0xa: {  	[smem:$0x3FB0] =	sst s2  }
0xb: {  	[smem:$0x3FB1] =	sst s3  }
0xc: {  	[smem:$0x3FB2] =	sst s4  }
0xd: {  	[smem:$0x3FB3] =	sst s5  }
0xe: {  	[smem:$0x3FB4] =	sst s6  }
0xf: {  	[smem:$0x3FB5] =	sst s7  }
0x10: {  	[smem:$0x3FB6] =	sst s8  }
0x11: {  	[smem:$0x3FB7] =	sst s9;
	s0 =	simm.s32 @!p0 $0x0  }
0x12: {  	s1 =	sld [smem:$0x3F9D];
	s0 =	simm.s32 @p0 $0x1  }
0x13: {  	[smem:$0x3FB8] =	sst s0;
	s0 =	simm.s32 @!p1 $0x0  }
0x14: {  	s2 =	sld [smem:$0x3F9C];
	s0 =	simm.s32 @p1 $0x1  }
0x15: {  	[smem:$0x3FB9] =	sst s0;
	s0 =	simm.s32 @!p2 $0x0  }
0x16: {  	s3 =	sld [smem:$0x3FDB];
	s0 =	simm.s32 @p2 $0x1  }
0x17: {  	s4 =	simm.s32 $0x1BF5;
	[smem:$0x3FBB] =	sst s0  }
0x18: {  	s0 =	sld [smem:$0x3F9E];
	_ =	swait.ge [sflag:s4], $0x0  }
0x19: {  	s7 =	sld [smem:$0x3F9F]  }
0x1a: {  	s8 =	sadd.s32 $0xFFFFE003, lr  }
0x1b: {  	s9 =	sadd.s32 $0xFFFFFEF7, lr;
	s5 =	simm.s32 $0xFFFFFFFF;
	p2 =	slt.u32 s8, $0xFFFFF086  }
0x1c: {  	p1 =	slt.u32 s9, $0xF7A;
	s5 =	simm.s32 @!p2 $0x0  }
0x1d: {  	s5 =	simm.s32 @p1 $0x1;
	p0 =	seq.s32 s7, s2  }
0x1e: {  	s7 =	smul.u32 @!p0 $0xF7A, s2;
	p2 =	seq.s32 @!p0 s5, $0x0  }
0x1f: {  	s9 =	smul.u32 $0xF7A, s1;
	s8 =	simm.s32 @!p0 $0x1BF5;
	p2 =	por !p2, p0  }
0x20: {  	[sflag:s8] =	ssyncset.s32 @!p0 $0xFFFFF086;
	s6 =	sadd.s32 @!p0 s3, s7;
	s7 =	simm.s32 @!p0 $0x108  }
0x21: {  	s3 =	sadd.s32 s3, s9;
	s6 =	sadd.s32 @!p0 $0x88, s6;
	s7 =	simm.s32 @p2 $0x1082  }
0x22: {  	[simem:s7], [sflag:s8] =	dma.local @!p0 [hbm:s6], $0xF7A  }
0x23: {  	s9 =	sor.u32 $0xD0000000, s2;
	s6 =	simm.s32 $0x108;
	_ =	swait.ge @!p0 [sflag:s8], $0x0  }
0x24: {  	s3 =	sadd.s32 $0x88, s3;
	s6 =	simm.s32 @!p1 $0x1082;
	[sflag:s4] =	ssyncset.s32 $0xFFFFF086  }
0x25: {  	[simem:s6], [sflag:s4] =	dma.local [hbm:s3], $0xF7A  }
0x26: {  	[smem:$0x3F9F] =	sst s1;
	(tag) =	ssettag s2;
	_ =	strace s9  }
0x27: {  	s1 =	sld [smem:$0x3FAF]  }
0x28: {  	s2 =	sld [smem:$0x3FB0]  }
0x29: {  	s4 =	sld [smem:$0x3FB2]  }
0x2a: {  	p0 =	seq.s32 s5, $0x0;
	s5 =	sld [smem:$0x3FB3]  }
0x2b: {  	s6 =	sld [smem:$0x3FB4]  }
0x2c: {  	s7 =	sld [smem:$0x3FB5]  }
0x2d: {  	s3 =	simm.s32 $0x108;
	s8 =	sld [smem:$0x3FB6]  }
0x2e: {  	s3 =	simm.s32 @!p0 $0x1082;
	s9 =	sld [smem:$0x3FB7]  }
0x2f: {  	lr =	sadd.s32 s0, s3;
	s0 =	sld [smem:$0x3FAE]  }
0x30: {  	s3 =	sld [smem:$0x3FB1]  }
0x31: {  	[smem:$0x3FBA] =	sst s10  }
0x32: {  	s10 =	sld [smem:$0x3FB8];
	_ =	sdelay $0x3  }
0x33: {  	p0 =	seq.s32 s10, $0x1;
	s10 =	sld [smem:$0x3FBA];
	_ =	sdelay $0x3  }
0x34: {  	[smem:$0x3FBA] =	sst s10  }
0x35: {  	s10 =	sld [smem:$0x3FB9];
	_ =	sdelay $0x3  }
0x36: {  	p1 =	seq.s32 s10, $0x1;
	s10 =	sld [smem:$0x3FBA];
	_ =	sdelay $0x3  }
0x37: {  	[smem:$0x3FBA] =	sst s10  }
0x38: {  	s10 =	sld [smem:$0x3FBB]  }
0x39: {  	_ = 	snop;
	(pc) =	sbr.ind lr, $3  }
0x3a: {  	_ = 	snop  }
0x3b: {  	_ = 	snop  }
0x3c: {  	p2 =	seq.s32 s10, $0x1;
	s10 =	sld [smem:$0x3FBA]  }
0x3d: {  	_ =	shalt  }
0x3e: {  	_ =	shalt  }
0x3f: {  	_ =	shalt  }
0x40: {  	_ =	shalt  }
0x41: {  	_ =	shalt  }
0x42: {  	_ =	shalt  }
0x43: {  	_ =	shalt  }
0x44: {  	_ =	shalt  }
0x45: {  	_ =	shalt  }
0x46: {  	_ =	shalt  }
0x47: {  	_ =	shalt  }
0x48: {  	_ =	shalt  }
0x49: {  	_ =	shalt  }
0x4a: {  	_ =	shalt  }
0x4b: {  	_ =	shalt  }
0x4c: {  	_ =	shalt  }
0x4d: {  	_ =	shalt  }
0x4e: {  	_ =	shalt  }
0x4f: {  	_ =	shalt  }
0x50: {  	_ =	shalt  }
0x51: {  	_ =	shalt  }
0x52: {  	_ =	shalt  }
0x53: {  	_ =	shalt  }
0x54: {  	_ =	shalt  }
0x55: {  	_ =	shalt  }
0x56: {  	_ =	shalt  }
0x57: {  	_ =	shalt  }
0x58: {  	_ =	shalt  }
0x59: {  	_ =	shalt  }
0x5a: {  	_ =	shalt  }
0x5b: {  	_ =	shalt  }
0x5c: {  	_ =	shalt  }
0x5d: {  	_ =	shalt  }
0x5e: {  	_ =	shalt  }
0x5f: {  	_ =	shalt  }
0x60: {  	_ =	shalt  }
0x61: {  	_ =	shalt  }
0x62: {  	_ =	shalt  }
0x63: {  	_ =	shalt  }
0x64: {  	_ =	shalt  }
0x65: {  	_ =	shalt  }
0x66: {  	_ =	shalt  }
0x67: {  	_ =	shalt  }
0x68: {  	_ =	shalt  }
0x69: {  	_ =	shalt  }
0x6a: {  	_ =	shalt  }
0x6b: {  	_ =	shalt  }
0x6c: {  	_ =	shalt  }
0x6d: {  	_ =	shalt  }
0x6e: {  	_ =	shalt  }
0x6f: {  	_ =	shalt  }
0x70: {  	_ =	shalt  }
0x71: {  	_ =	shalt  }
0x72: {  	_ =	shalt  }
0x73: {  	_ =	shalt  }
0x74: {  	_ =	shalt  }
0x75: {  	_ =	shalt  }
0x76: {  	_ =	shalt  }
0x77: {  	_ =	shalt  }
0x78: {  	_ =	shalt  }
0x79: {  	_ =	shalt  }
0x7a: {  	_ =	shalt  }
0x7b: {  	_ =	shalt  }
0x7c: {  	_ =	shalt  }
0x7d: {  	_ =	shalt  }
0x7e: {  	_ =	shalt  }
0x7f: {  	_ =	shalt  }
0x80: {  	_ =	shalt  }
0x81: {  	_ =	shalt  }
0x82: {  	_ =	shalt  }
0x83: {  	_ =	shalt  }
0x84: {  	_ =	shalt  }
0x85: {  	_ =	shalt  }
0x86: {  	_ =	shalt  }
0x87: {  	_ =	shalt  }
.Lfunc_end0:
.L_simem_size_0:
called_computation_lowered:
.L_overlay_start_0:
0x88: {  	s2 =	sld [smem:$0x3FD9]  }
0x89: {  	s3 =	sld [smem:$0x3FFE];
	_ =	sdelay $0x1  }
0x8a: {  	s1 =	srdreg.scid  }
0x8b: {  	s0 =	sand.u32 $0x1, s1  }
0x8c: {  	s17 =	sshll.u32 s0, $0xA;
	s2 =	sadd.s32 s3, s2  }
0x8d: {  	s2 =	sadd.s32 s2, s17  }
0x8e: {  	[smem:$0x3FC6] =	sst s2  }
0x8f: {  	_ = 	snop  }
0x90: {  	s2 =	sld [smem:$0x3FD0];
	(tm) =	ssettm $0x1  }
0x91: {  	s18 =	sld [smem:$0x3FFB];
	_ =	sdelay $0x3  }
0x92: {  	_ =	strace s18  }
0x93: {  	s3 =	sld [smem:$0x3FFC];
	_ =	sdelay $0x3  }
0x94: {  	_ =	strace s3  }
0x95: {  	s3 =	sld [smem:$0x3FFD];
	_ =	sdelay $0x3  }
0x96: {  	_ =	strace s3  }
0x97: {  	_ =	strace $0x8FFFFFFF  }
0x98: {  	s19 =	sld [smem:$0x3FDB];
	_ =	sdelay $0x1  }
0x99: {  	s4 =	simm.s32 $_scs_section_size  }
0x9a: {  	s5 =	simm.s32 $_size__tile_overlayer_lowered;
	s6 =	simm.s32 $_tile_overlayer_lowered  }
0x9b: {  	s22 =	simm.s32 $0x1BFF;
	s21 =	sshll.u32 s6, $0x1;
	s3 =	sadd.s32 s4, s19  }
0x9c: {  	s7 =	simm.s32 $0x0;
	s20 =	sshll.u32 s5, $0x1;
	s5 =	sadd.s32 s21, s3  }
0x9d: {  	[timem:s7], [sflag:s22] =	dma.local [hbm:s5], s20  }
0x9e: {  	_ =	swait.ge [sflag:s22], s20  }
0x9f: {  	s4 =	ssub.s32 $0x0, s20;
	[sflag:s22] =	ssyncset.done $0x0  }
0xa0: {  	[sflag:s22] =	ssyncadd.s32 s4;
	_ =	sdelay $0x1  }
0xa1: {  	s23 =	simm.s32 $0x1B8B  }
0xa2: {  	_ =	swait.ge [sflag:s23], $0x1  }
0xa3: {  	[sflag:s23] =	ssyncset.done $0x0  }
0xa4: {  	s25 =	simm.s32 $0x1B8E;
	s24 =	sld [smem:$0x3FFE];
	[sflag:s23] =	ssyncadd.s32 $0xFFFFFFFF  }
0xa5: {  	s26 =	simm.s32 $execute0_lowered;
	[smem:$0x3FD2] =	sst s25  }
0xa6: {  	s5 =	sshll.u32 s26, $0x1;
	_ =	strace $0x80000046;
	[dreg:$0x1] =	wrdreg $0xFFFFFFFF  }
0xa7: {  	s28 =	simm.s32 $_size_execute0_lowered;
	s3 =	sadd.s32 s3, s5;
	[dreg:$0x0] =	wrdreg $0x0  }
0xa8: {  	s5 =	sshll.u32 s28, $0x1;
	[dreg:$0x2] =	wrdreg s3  }
0xa9: {  	[dreg:$0x3] =	wrdreg s5  }
0xaa: {  	[dreg:$0x4] =	wrdreg $0xC0  }
0xab: {  	_ =	task [dreg:s7], $0x5FFFF  }
0xac: {  	[dreg:$0x1] =	wrdreg $0xFFFFFFFF  }
0xad: {  	[dreg:$0x0] =	wrdreg $0x60  }
0xae: {  	[dreg:$0x2] =	wrdreg s24  }
0xaf: {  	[dreg:$0x3] =	wrdreg s2  }
0xb0: {  	[dreg:$0x4] =	wrdreg $0x9  }
0xb1: {  	_ =	task.clear_ibuf [dreg:s7], $0x5FFFF;
	_ =	strace $0x90000046  }
0xb2: {  	s29 =	simm.s32 $0x9;
	_ =	strace $0x80000048  }
0xb3: {  	_ =	swait.ge [sflag:s29], $0x1  }
0xb4: {  	[sflag:s29] =	ssyncadd.s32 $0xFFFFFFFF  }
0xb5: {  	_ =	strace $0x90000048  }
0xb6: {  	_ =	sfence  }
0xb7: {  	s30 =	sld [smem:$0x0];
	_ =	sdelay $0x2  }
0xb8: {  	s31 =	sshll.u32 s1, $0xD;
	s1 =	sshrl.u32 s1, $0x2  }
0xb9: {  	s3 =	sand.u32 $0x4000, s31;
	s1 =	sadd.s32 s1, s30  }
0xba: {  	s0 =	sor.u32 s3, s0;
	s1 =	sshll.u32 s1, $0x11  }
0xbb: {  	s0 =	sor.u32 s1, s0  }
0xbc: {  	s0 =	sadd.s32 $0x8F2B, s0  }
0xbd: {  	[sflag:s0] =	ssyncadd.remote.s32 $0x1  }
0xbe: {  	_ =	sfence.sel $0xFFFF  }
0xbf: {  	[dreg:$0x0] =	wrdreg $0xFFFFFFFF;
	(pc) =	sbr.abs _section_cstart, $3  }
0xc0: {  	[dreg:$0x1] =	wrdreg $0xFFFFFFFF  }
0xc1: {  	_ =	task.clear_ibuf [dreg:s7], $0x2FFFF;
	_ =	strace $0x9FFFFFFF  }
0xc2: {  	(tm) =	ssettm $0x7FFFFFFF  }
0xc3: {  	_ =	shalt  }
tec
execute0_lowered:
.L_overlay_start_1:
0x0: {  	(tag) =	ssettag $0x1  }
0x1: {  	s0 =	srdreg.scid  }
0x2: {  	s1 =	sshll.u32 s0, $0x4  }
0x3: {  	s0 =	stileid.u32;
	s1 =	sand.u32 $0x10, s1  }
0x4: {  	s2 =	sor.u32 s0, s1  }
0x5: {  	s1 =	smin.u32 s2, $0x12  }
0x6: {  	s1 =	sadd.s32 s2, s1  }
0x7: {  	p0 =	slt.u32 s2, $0x12;
	s2 =	simm.s32 $0x320;
	s1 =	smul.u32 $0x190, s1  }
0x8: {  	s2 =	simm.s32 @!p0 $0x190  }
0x9: {  	s2 =	sadd.s32 s2, s1  }
0xa: {  	s3 =	smin.u32 s2, $0x4E20  }
0xb: {  	s7 =	ssub.s32 s3, s1  }
0xc: {  	p0 =	sgt.s32 s7, $0x0  }
0xd: {  	s7 =	simm.s32 @!p0 $0x0  }
0xe: {  	s31 =	sand.u32 $0xFFF0, s7  }
0xf: {  	s2 =	sshrl.u32 s31, $0x4  }
0x10: {  	s4 =	rddreg [dreg:$0x0];
	s2 =	smul.u32 $0xA3E, s2  }
0x11: {  	s5 =	rddreg [dreg:$0x1]  }
0x12: {  	s6 =	simm.s32 $0x1;
	s10 =	simm.s32 $0x3;
	s8 =	sshrl.u32 s2, $0x10  }
0x13: {  	s13 =	simm.s32 $0x0;
	s12 =	simm.s32 $0x0;
	s9 =	smul.u32 $0x190, s8  }
.Ltmp0:
0x14: {  	s11 =	smov.u32 s1;
	s2 =	rddreg [dreg:$0x2];
	(pc) =	sbr.rel .LBB2_1-.Ltmp0, $4  }
0x15: {  	_ =	strace $0x80000047;
	p0 =	sne.s32 s7, s9;
	s9 =	simm.s32 $0x1  }
0x16: {  	[sflag:s6] =	ssyncpa.u1 $0x0;
	s7 =	simm.s32 $0x2;
	s9 =	simm.s32 @!p0 $0x0  }
0x17: {  	[sflag:s7] =	ssyncpa.u1 $0x0;
	p0 =	por $0x0, $0x0;
	s8 =	sadd.s32 s8, s9  }
0x18: {  	vm0 =	vmmov $0xff;
	vm1 =	vcmask $0x3F20;
	s9 =	sadd.s32 $0x4E200, s4;
	[sflag:s10] =	ssyncpa.u1 $0x0;
	s10 =	sadd.s32 $0x1, s8  }
.LBB2_6:
0x19: {  	[hbm:s17] =	stream.linear.scatter [tilespmem:s14], [sflag:$0x3], $0x400, $0x38;
	[tilespmem:$0x19320] =	vst v63  }
.LBB2_7:
0x1a: {  	s13 =	sadd.s32 $0x190, s11  }
0x1b: {  	s15 =	smov.u32 s1;
	p2 =	slt.s32 s13, s3  }
0x1c: {  	s15 =	smov.u32 @p2 s13;
	p2 =	sne.s32 s12, s10  }
.Ltmp1:
0x1d: {  	p1 =	slt.u32 s12, $0x2;
	(pc) =	sbr.rel @!p2 .LBB2_8-.Ltmp1, $4  }
0x1e: {  	s14 =	simm.s32 @!p1 $0x3  }
0x1f: {  	s16 =	sadd.s32 $0x1, s12;
	_ =	swait.ge @!p1 [sflag:s14], $0xC800  }
0x20: {  	p0 =	por !p0, !p0;
	s13 =	smov.u32 s11;
	[sflag:s14] =	ssyncset.done @!p1 $0x0  }
0x21: {  	s12 =	smov.u32 s16;
	s11 =	smov.u32 s15;
	[sflag:s14] =	ssyncadd.s32 @!p1 $0xFFFF3800  }
.LBB2_1:
0x22: {  	p1 =	sge.u32 s12, s8  }
0x23: {  	s14 =	sxor.u32 @!p1 $0xFFFFFFFF, s12  }
0x24: {  	s14 =	sand.u32 @!p1 $0x1, s14  }
0x25: {  	s14 =	smul.u32 @!p1 $0x640, s14  }
0x26: {  	s31 =	sadd.s32 $0xFFFFFFFF, s12;
	s15 =	sshrl.u32 @!p1 s11, $0x3  }
0x27: {  	s16 =	sand.u32 @!p1 $0x7, s11;
	s15 =	sadd.s32 @!p1 s5, s15;
	s14 =	sshrl.u32 @!p1 s14, $0x2  }
0x28: {  	[tilespmem:s14], [sflag:$0x2] =	stream.linear.gather @!p1 [hbm4b:s15+s16], $0x190, $0x38;
	[tilespmem:$0x19320] =	vst v63  }
0x29: {  	p1 =	sge.u32 s31, s8  }
.Ltmp2:
0x2a: {  	_ = 	snop;
	(pc) =	sbr.rel @p1 .LBB2_7-.Ltmp2, $1  }
0x2b: {  	_ =	sdelay $0x3  }
0x2c: {  	s14 =	simm.s32 $0x1  }
0x2d: {  	s14 =	simm.s32 @!p0 $0x0  }
0x2e: {  	s15 =	smul.u32 $0x640, s14  }
0x2f: {  	_ =	swait.ge [sflag:s7], $0x190  }
0x30: {  	[sflag:s7] =	ssyncset.done $0x0;
	s16 =	sshrl.u32 s15, $0x2  }
0x31: {  	[sflag:s7] =	ssyncadd.s32 $0xFFFFFE70;
	s15 =	sadd.s32 $0x0, s16  }
0x32: {  	v0 =	vld.msk [tilespmem:s15+$0x0 ss:$0x1], $0xffff;
	_ =	sdelay $0x4  }
0x33: {  	vm2 =	vgt.s32 v0, $0x0  }
0x34: {  	v0 =	vnsel vm2, $0x0, v0  }
0x35: {  	v0 =	vmin.u32 v0, $0x4E1F  }
0x36: {  	v0 =	vshll.u32 v0, $0x4  }
0x37: {  	s14 =	smul.u32 $0x32000, s14;
	_ =	sdelay $0x1  }
0x38: {  	s14 =	sshrl.u32 s14, $0x2  }
0x39: {  	s14 =	sor.u32 $0x320, s14  }
0x3a: {  	[tilespmem:s14], [sflag:$0x1] =	stream.indirect_vreg.gather [hbm:s4], $0x80, v0, vm0, $0x38;
	[tilespmem:$0x19320] =	vst v63  }
0x3b: {  	s17 =	sadd.s32 $0x10, s16;
	s15 =	sadd.s32 $0x400, s14  }
0x3c: {  	[tilespmem:s15], [sflag:$0x1] =	stream.indirect_vreg.gather [hbm:s4], $0x80, v0, vm1, $0x38;
	[tilespmem:$0x19320] =	vst v63  }
0x3d: {  	s18 =	simm.s32 $0x80;
	v0 =	vld.msk [tilespmem:s17+$0x0 ss:$0x1], $0xffff;
	s17 =	smov.u32 s14  }
.LBB2_3:
0x3e: {  	p1 =	sne.s32 s18, $0x600;
	_ =	sdelay $0x4  }
0x3f: {  	vm2 =	vgt.s32 v0, $0x0  }
0x40: {  	v0 =	vnsel vm2, $0x0, v0  }
0x41: {  	v0 =	vmin.u32 v0, $0x4E1F  }
0x42: {  	v0 =	vshll.u32 v0, $0x4;
	_ =	sdelay $0x3  }
.Ltmp3:
0x43: {  	s19 =	sshra.s32 s18, $0x2;
	s17 =	sadd.s32 $0x800, s17;
	(pc) =	sbr.rel @p1 .LBB2_3-.Ltmp3, $4  }
0x44: {  	[tilespmem:s17], [sflag:$0x1] =	stream.indirect_vreg.gather [hbm:s4], $0x80, v0, vm0, $0x38;
	[tilespmem:$0x19320] =	vst v63  }
0x45: {  	s19 =	sadd.s32 s19, s16;
	s20 =	sadd.s32 $0x400, s17  }
0x46: {  	[tilespmem:s20], [sflag:$0x1] =	stream.indirect_vreg.gather [hbm:s4], $0x80, v0, vm1, $0x38;
	[tilespmem:$0x19320] =	vst v63  }
0x47: {  	s18 =	sadd.s32 $0x40, s18;
	v0 =	vld.msk [tilespmem:s19+$0x0 ss:$0x1], $0xffff  }
0x48: {  	_ =	sdelay $0x3  }
0x49: {  	vm2 =	vgt.s32 v0, $0x0  }
0x4a: {  	v0 =	vnsel vm2, $0x0, v0  }
0x4b: {  	v0 =	vmin.u32 v0, $0x4E1F  }
0x4c: {  	v0 =	vshll.u32 v0, $0x4;
	_ =	sdelay $0x3  }
0x4d: {  	s16 =	sadd.s32 $0x800, s17  }
0x4e: {  	[tilespmem:s16], [sflag:$0x1] =	stream.indirect_vreg.gather [hbm:s4], $0x80, v0, vm0, $0x38;
	[tilespmem:$0x19320] =	vst v63  }
0x4f: {  	s16 =	sadd.s32 $0x400, s16  }
0x50: {  	[tilespmem:s16], [sflag:$0x1] =	stream.indirect_vreg.gather [hbm:s4], $0x80, v0, vm1, $0x38;
	[tilespmem:$0x19320] =	vst v63  }
0x51: {  	s13 =	sshll.u32 s13, $0x4;
	_ =	swait.ge [sflag:s6], $0xC800  }
0x52: {  	s13 =	sadd.s32 s13, s9;
	[sflag:s6] =	ssyncset.done $0x0  }
0x53: {  	s17 =	sadd.s32 $0x0, s13;
	s16 =	simm.s32 $0x80;
	[sflag:s6] =	ssyncadd.s32 $0xFFFF3800  }
.LBB2_5:
0x54: {  	[hbm:s17] =	stream.linear.scatter [tilespmem:s14], [sflag:$0x3], $0x400, $0x38;
	[tilespmem:$0x19320] =	vst v63  }
0x55: {  	s17 =	smov.u32 s16;
	s14 =	smov.u32 s15;
	p1 =	sne.s32 s16, $0x1880  }
.Ltmp4:
0x56: {  	s16 =	sadd.s32 $0x80, s16;
	(pc) =	sbr.rel @p1 .LBB2_5-.Ltmp4, $2  }
0x57: {  	_ =	sdelay $0x2  }
0x58: {  	s15 =	sadd.s32 $0x400, s15;
	s17 =	sadd.s32 s17, s13  }
.Ltmp5:
0x59: {  	_ = 	snop;
	(pc) =	sbr.rel .LBB2_6-.Ltmp5, $1  }
0x5a: {  	_ =	sdelay $0x3  }
.LBB2_8:
0x5b: {  	_ =	sfence.sel $0x180000  }
0x5c: {  	s1 =	simm.s32 $0x2;
	[bflag:$0x0] =	sbarrier.arrive $0xFFFF  }
0x5d: {  	s30 =	simm.s32 $0x3;
	[sflag:s1] =	ssyncpa.u1 $0x1  }
0x5e: {  	s31 =	simm.s32 $0x1;
	[sflag:s30] =	ssyncpa.u1 $0x1  }
0x5f: {  	[sflag:s31] =	ssyncpa.u1 $0x1  }
0x60: {  	p0 =	sne.s32 s0, $0x0;
	_ =	strace $0x90000047  }
0x61: {  	s0 =	sadd.s32 @!p0 $0x100000, s2;
	[bflag:$0x2] =	sbarrier.arrive $0xFFFF  }
0x62: {  	[sflag:s0] =	ssyncadd.tile.s32 @!p0 $0x1;
	_ =	shalt  }
.Lfunc_end2:
_tile_overlayer_lowered:
.L_overlay_start_2:
0x63: {  	(tag) =	ssettag $0x2  }
0x64: {  	s0 =	rddreg [dreg:$0x0];
	s2 =	stileid.u32  }
0x65: {  	s1 =	rddreg [dreg:$0x1];
	p0 =	sne.s32 s2, $0x0  }
0x66: {  	s3 =	rddreg [dreg:$0x2];
	[bflag:$0x3] =	sbarrier.arrive $0xFFFF;
	s2 =	simm.s32 @!p0 $0x1C01  }
0x67: {  	[timem:s3], [sflag:s2] =	dma.local @!p0 [hbm:s0], s1  }
0x68: {  	s0 =	simm.s32 @!p0 $0x1  }
0x69: {  	_ =	swait.ge @!p0 [sflag:s0], s1  }
0x6a: {  	s1 =	ssub.s32 @!p0 $0x0, s1;
	[sflag:s0] =	ssyncset.done @!p0 $0x0  }
0x6b: {  	[sflag:s0] =	ssyncadd.s32 @!p0 s1  }
0x6c: {  	[bflag:$0x3] =	sbarrier.arrive $0xFFFF  }
0x6d: {  	_ =	shalt  }

</sc_bundles>
